<compile_context>
chip_gen: v7x
topology: tpu7x:2x2x1
jax: 0.10.2.dev20260603
libtpu: 0.0.44.dev20260713+nightly
codegen_flags: <defaults>
</compile_context>

<pallas_src>
import functools

import jax
import jax.numpy as jnp
from jax import lax
from jax.experimental import pallas as pl
from jax.experimental.pallas import tpu as pltpu
from jax.experimental.pallas import tpu_sc as plsc

ALPHA = 100.0
_EPS = 1e-12

_SC_CORES = 2
_SC_SUBCORES = 16
_SC_LANES = 16


def _gather_body(verts_t_hbm, faces_t_hbm, out_hbm, idx_v, vcol, orow):
    F = faces_t_hbm.shape[2]
    n_workers = _SC_CORES * _SC_SUBCORES
    n_tasks = out_hbm.shape[0] * out_hbm.shape[1]
    wid = lax.axis_index("s") * _SC_CORES + lax.axis_index("c")

    def do_task(t):
        b = t // 9
        row = t % 9
        k = row // 3
        coord = row - (k * 3)
        pltpu.sync_copy(faces_t_hbm.at[b, k, :], idx_v)
        pltpu.sync_copy(verts_t_hbm.at[b, coord, :], vcol)
        for j in range(F // _SC_LANES):
            idx = idx_v[pl.ds(j * _SC_LANES, _SC_LANES)]
            orow[pl.ds(j * _SC_LANES, _SC_LANES)] = plsc.load_gather(vcol, [idx])
        pltpu.sync_copy(orow, out_hbm.at[b, row, :])

    do_task(wid)
    rem = n_tasks - n_workers

    @pl.when(wid < rem)
    def _():
        do_task(wid + n_workers)


def _sc_gather(verts_t, faces_t):
    B = verts_t.shape[0]
    V = verts_t.shape[2]
    F = faces_t.shape[2]
    return pl.kernel(
        _gather_body,
        out_type=jax.ShapeDtypeStruct((B, 9, F), jnp.float32),
        mesh=plsc.VectorSubcoreMesh(core_axis_name="c", subcore_axis_name="s"),
        scratch_types=[
            pltpu.VMEM((F,), jnp.int32),
            pltpu.VMEM((V,), jnp.float32),
            pltpu.VMEM((F,), jnp.float32),
        ],
        compiler_params=pltpu.CompilerParams(needs_layout_passes=False),
    )(verts_t, faces_t)


def _rast_kernel(points_ref, tri_ref, out_ref, *, n_chunk):
    N = points_ref.shape[1]

    ax, ay, az = tri_ref[0, 0:1, :], tri_ref[0, 1:2, :], tri_ref[0, 2:3, :]
    bx, by, bz = tri_ref[0, 3:4, :], tri_ref[0, 4:5, :], tri_ref[0, 5:6, :]
    cx, cy, cz = tri_ref[0, 6:7, :], tri_ref[0, 7:8, :], tri_ref[0, 8:9, :]

    abx, aby, abz = bx - ax, by - ay, bz - az
    acx, acy, acz = cx - ax, cy - ay, cz - az
    bcx, bcy, bcz = cx - bx, cy - by, cz - bz

    ab2 = abx * abx + aby * aby + abz * abz
    ac2 = acx * acx + acy * acy + acz * acz
    bc2 = bcx * bcx + bcy * bcy + bcz * bcz
    dabac = abx * acx + aby * acy + abz * acz

    iab2 = 1.0 / jnp.maximum(ab2, _EPS)
    iac2 = 1.0 / jnp.maximum(ac2, _EPS)
    ibc2 = 1.0 / jnp.maximum(bc2, _EPS)

    nx = aby * acz - abz * acy
    ny = abz * acx - abx * acz
    nz = abx * acy - aby * acx
    n2 = nx * nx + ny * ny + nz * nz
    in2 = 1.0 / jnp.maximum(n2, _EPS)

    rbc = ab2 - dabac
    m_ab0 = ab2 == 0.0

    for i in range(N // n_chunk):
        pts = points_ref[0, pl.ds(i * n_chunk, n_chunk), :]
        px = pts[:, 0:1]
        py = pts[:, 1:2]
        pz = pts[:, 2:3]

        apx = px - ax
        apy = py - ay
        apz = pz - az
        d1 = apx * abx + apy * aby + apz * abz
        d2 = apx * acx + apy * acy + apz * acz
        ap2 = apx * apx + apy * apy + apz * apz

        u1 = d1 + d1
        bp2 = (ap2 - u1) + ab2
        dbc_b = (d2 - d1) + rbc

        t1 = jnp.clip(d1 * iab2, 0.0, 1.0)
        e_ab = ap2 - t1 * (u1 - t1 * ab2)
        u2 = d2 + d2
        t2 = jnp.clip(d2 * iac2, 0.0, 1.0)
        e_ac = ap2 - t2 * (u2 - t2 * ac2)
        u3 = dbc_b + dbc_b
        t3 = jnp.clip(dbc_b * ibc2, 0.0, 1.0)
        e_bc = bp2 - t3 * (u3 - t3 * bc2)

        vbn = ac2 * d1 - dabac * d2
        vcn = ab2 * d2 - dabac * d1
        s = vbn + vcn
        ins = jnp.minimum(jnp.minimum(vbn, vcn), n2 - s)
        dn = apx * nx + apy * ny + apz * nz
        pd = dn * dn * in2

        dmin = jnp.minimum(jnp.minimum(e_ab, e_ac), e_bc)
        r = jnp.minimum(jnp.where(ins > 0.0, pd, dmin), dmin)
        d6 = d2 - ac2
        r = jnp.where(m_ab0, jnp.where(d6 >= 0.0, e_ac, ap2), r)

        row_min = jnp.maximum(jnp.min(r, axis=1, keepdims=True), 0.0)
        out_ref[0, pl.ds(i * n_chunk, n_chunk), :] = jnp.exp(-ALPHA * row_min)


def kernel(points, verts, faces):
    B, N, _ = points.shape
    F = faces.shape[1]
    verts_t = jnp.transpose(verts, (0, 2, 1))
    faces_t = jnp.transpose(faces, (0, 2, 1))

    tri = _sc_gather(verts_t, faces_t)

    out = pl.pallas_call(
        functools.partial(_rast_kernel, n_chunk=256),
        grid=(B,),
        in_specs=[
            pl.BlockSpec((1, N, 3), lambda i: (i, 0, 0)),
            pl.BlockSpec((1, 9, F), lambda i: (i, 0, 0)),
        ],
        out_specs=pl.BlockSpec((1, N, 1), lambda i: (i, 0, 0)),
        out_shape=jax.ShapeDtypeStruct((B, N, 1), jnp.float32),
    )(points, tri)
    return out.reshape(B, N)

# --- scband reference (transcript-rebuilt; emitter-appended) ---
"""Pipeline reference for scband-differentiable-rasterizer-56796647522831 (READ-ONLY COPY).

The authoritative reference and input builder live on the scoring server;
editing this copy changes nothing except your own understanding.
"""

import jax, jax.numpy as jnp
import numpy as np

ALPHA = 100.0


def _point_tri_dist2(p, a, b, c):
    # p: (B,N,1,3); a,b,c: (B,1,F,3). Returns squared distance (B,N,F).
    # Branchless Ericson closest-point-on-triangle.
    ab = b - a
    ac = c - a
    ap = p - a
    d1 = jnp.sum(ab * ap, -1)
    d2 = jnp.sum(ac * ap, -1)
    bp = p - b
    d3 = jnp.sum(ab * bp, -1)
    d4 = jnp.sum(ac * bp, -1)
    cp = p - c
    d5 = jnp.sum(ab * cp, -1)
    d6 = jnp.sum(ac * cp, -1)
    vc = d1 * d4 - d3 * d2
    vb = d5 * d2 - d1 * d6
    va = d3 * d6 - d5 * d4
    eps = 1e-12

    def safe_div(n, d):
        d_safe = jnp.where(jnp.abs(d) < eps, eps, d)
        return n / d_safe

    v_ab = jnp.clip(safe_div(d1, d1 - d3), 0.0, 1.0)
    v_ac = jnp.clip(safe_div(d2, d2 - d6), 0.0, 1.0)
    v_bc = jnp.clip(safe_div(d4 - d3, (d4 - d3) + (d5 - d6)), 0.0, 1.0)
    denom = va + vb + vc
    v_in = safe_div(vb, denom)
    w_in = safe_div(vc, denom)

    c1 = (d1 <= 0) & (d2 <= 0)
    c2 = (d3 >= 0) & (d4 <= d3)
    c3 = (d6 >= 0) & (d5 <= d6)
    c4 = (vc <= 0) & (d1 >= 0) & (d3 <= 0)
    c5 = (vb <= 0) & (d2 >= 0) & (d6 <= 0)
    c6 = (va <= 0) & ((d4 - d3) >= 0) & ((d5 - d6) >= 0)

    cl = a + ab * v_in[..., None] + ac * w_in[..., None]
    cl = jnp.where(c6[..., None], b + (c - b) * v_bc[..., None], cl)
    cl = jnp.where(c5[..., None], a + ac * v_ac[..., None], cl)
    cl = jnp.where(c4[..., None], a + ab * v_ab[..., None], cl)
    cl = jnp.where(c3[..., None], jnp.broadcast_to(c, cl.shape), cl)
    cl = jnp.where(c2[..., None], jnp.broadcast_to(b, cl.shape), cl)
    cl = jnp.where(c1[..., None], jnp.broadcast_to(a, cl.shape), cl)
    diff = p - cl
    return jnp.sum(diff * diff, -1)


def setup_inputs(seed: int = 0) -> dict:
    key = jax.random.key(seed)
    k1, k2, k3 = jax.random.split(key, 3)
    B, N, V, F = 4, 2048, 512, 512
    points = jax.random.normal(k1, (B, N, 3), dtype=jnp.float32)
    verts = jax.random.normal(k2, (B, V, 3), dtype=jnp.float32)
    faces = jax.random.randint(k3, (B, F, 3), 0, V, dtype=jnp.int32)
    return {"points": points, "verts": verts, "faces": faces}


def reference(points, verts, faces):
    # Faithful jax translation: gather triangle vertices (verts_packed()[faces_packed()]),
    # compute min point-to-face squared distance per point per mesh (point_face_distance),
    # then prob = exp(-dist * alpha).
    tri = jax.vmap(lambda v, f: jnp.take(v, f, axis=0))(verts, faces)  # (B,F,3,3)
    a = tri[:, :, 0, :][:, None, :, :]  # (B,1,F,3)
    b = tri[:, :, 1, :][:, None, :, :]
    c = tri[:, :, 2, :][:, None, :, :]
    p = points[:, :, None, :]  # (B,N,1,3)
    d2 = _point_tri_dist2(p, a, b, c)  # (B,N,F)
    dist = jnp.min(d2, axis=-1)  # (B,N) squared distance to nearest face
    prob = jnp.exp(-dist * ALPHA)
    return prob

if __name__ == "__main__":
    import jax
    _d = setup_inputs()
    print(jax.jit(kernel)(*tuple(_d.values())))

</pallas_src>

<mosaic_0001>
#map = affine_map<(d0, d1) -> (0, 0, 0)>
module attributes {stable_mosaic.version = 14 : i64} {
  func.func @_gather_body(%arg0: i32, %arg1: i32, %arg2: memref<4x3x512xf32, #tpu.memory_space<hbm>>, %arg3: memref<4x3x512xi32, #tpu.memory_space<hbm>>, %arg4: memref<4x9x512xf32, #tpu.memory_space<hbm>>, %arg5: memref<512xi32, #tpu.memory_space<vmem>>, %arg6: memref<512xf32, #tpu.memory_space<vmem>>, %arg7: memref<512xf32, #tpu.memory_space<vmem>>) attributes {dimension_semantics = [#tpu.dimension_semantics<core_parallel>, #tpu.dimension_semantics<subcore_parallel>], iteration_bounds = array<i64: 2, 16>, scalar_prefetch = 0 : i64, scratch_operands = 3 : i64, tpu.core_type = #tpu.core_type<sc_vector_subcore>, window_params = [{transform_indices = #map}, {transform_indices = #map}, {transform_indices = #map}]} {
    %mul3A = arith.constant 2 : i32
    %mul3A_0 = arith.muli %arg1, %mul3A : i32
    %add3A = arith.addi %mul3A_0, %arg0 : i32
    %jit3A = arith.constant 9 : i32
    %div3A = arith.divsi %add3A, %jit3A : i32
    %sign3A = arith.constant 0 : i32
    %sign3A_1 = arith.cmpi sgt, %add3A, %sign3A : i32
    %sign3A_2 = arith.extui %sign3A_1 : i1 to i32
    %sign3A_3 = arith.constant 0 : i32
    %sign3A_4 = arith.cmpi slt, %add3A, %sign3A_3 : i32
    %sign3A_5 = arith.extui %sign3A_4 : i1 to i32
    %sign3A_6 = arith.subi %sign3A_2, %sign3A_5 : i32
    %sign3A_7 = arith.constant 0 : i32
    %sign3A_8 = arith.cmpi sgt, %jit3A, %sign3A_7 : i32
    %sign3A_9 = arith.extui %sign3A_8 : i1 to i32
    %sign3A_10 = arith.constant 0 : i32
    %sign3A_11 = arith.cmpi slt, %jit3A, %sign3A_10 : i32
    %sign3A_12 = arith.extui %sign3A_11 : i1 to i32
    %sign3A_13 = arith.subi %sign3A_9, %sign3A_12 : i32
    %ne3A = arith.cmpi ne, %sign3A_6, %sign3A_13 : i32
    %rem3A = arith.remsi %add3A, %jit3A : i32
    %ne3A_14 = arith.constant 0 : i32
    %ne3A_15 = arith.cmpi ne, %rem3A, %ne3A_14 : i32
    %and3A = arith.andi %ne3A, %ne3A_15 : i1
    %sub3A = arith.constant 1 : i32
    %sub3A_16 = arith.subi %div3A, %sub3A : i32
    %select_n3A = arith.select %and3A, %sub3A_16, %div3A : i32
    %jit3A_17 = arith.constant 9 : i32
    %eq3A = arith.constant 0 : i32
    %eq3A_18 = arith.cmpi eq, %jit3A_17, %eq3A : i32
    %jit3A_19 = arith.constant 1 : i32
    %select_n3A_20 = arith.select %eq3A_18, %jit3A_19, %jit3A_17 : i32
    %rem3A_21 = arith.remsi %add3A, %select_n3A_20 : i32
    %ne3A_22 = arith.constant 0 : i32
    %ne3A_23 = arith.cmpi ne, %rem3A_21, %ne3A_22 : i32
    %lt3A = arith.constant 0 : i32
    %lt3A_24 = arith.cmpi slt, %rem3A_21, %lt3A : i32
    %lt3A_25 = arith.constant 0 : i32
    %lt3A_26 = arith.cmpi slt, %select_n3A_20, %lt3A_25 : i32
    %ne3A_27 = arith.xori %lt3A_24, %lt3A_26 : i1
    %and3A_28 = arith.andi %ne3A_27, %ne3A_23 : i1
    %add3A_29 = arith.addi %rem3A_21, %select_n3A_20 : i32
    %select_n3A_30 = arith.select %and3A_28, %add3A_29, %rem3A_21 : i32
    %jit3A_31 = arith.constant 3 : i32
    %div3A_32 = arith.divsi %select_n3A_30, %jit3A_31 : i32
    %sign3A_33 = arith.constant 0 : i32
    %sign3A_34 = arith.cmpi sgt, %select_n3A_30, %sign3A_33 : i32
    %sign3A_35 = arith.extui %sign3A_34 : i1 to i32
    %sign3A_36 = arith.constant 0 : i32
    %sign3A_37 = arith.cmpi slt, %select_n3A_30, %sign3A_36 : i32
    %sign3A_38 = arith.extui %sign3A_37 : i1 to i32
    %sign3A_39 = arith.subi %sign3A_35, %sign3A_38 : i32
    %sign3A_40 = arith.constant 0 : i32
    %sign3A_41 = arith.cmpi sgt, %jit3A_31, %sign3A_40 : i32
    %sign3A_42 = arith.extui %sign3A_41 : i1 to i32
    %sign3A_43 = arith.constant 0 : i32
    %sign3A_44 = arith.cmpi slt, %jit3A_31, %sign3A_43 : i32
    %sign3A_45 = arith.extui %sign3A_44 : i1 to i32
    %sign3A_46 = arith.subi %sign3A_42, %sign3A_45 : i32
    %ne3A_47 = arith.cmpi ne, %sign3A_39, %sign3A_46 : i32
    %rem3A_48 = arith.remsi %select_n3A_30, %jit3A_31 : i32
    %ne3A_49 = arith.constant 0 : i32
    %ne3A_50 = arith.cmpi ne, %rem3A_48, %ne3A_49 : i32
    %and3A_51 = arith.andi %ne3A_47, %ne3A_50 : i1
    %sub3A_52 = arith.constant 1 : i32
    %sub3A_53 = arith.subi %div3A_32, %sub3A_52 : i32
    %select_n3A_54 = arith.select %and3A_51, %sub3A_53, %div3A_32 : i32
    %mul3A_55 = arith.constant 3 : i32
    %mul3A_56 = arith.muli %select_n3A_54, %mul3A_55 : i32
    %sub3A_57 = arith.subi %select_n3A_30, %mul3A_56 : i32
    "tpu.region"() ({
      %run_scoped3A = tpu.sem_alloc : memref<!tpu.dma_semaphore, #tpu.memory_space<semaphore_mem>>
      %dma_start3A = arith.constant 0 : i32
      %dma_start3A_218 = tpu.memref_slice %arg3[%select_n3A, %select_n3A_54, %dma_start3A] : memref<4x3x512xi32, #tpu.memory_space<hbm>> -> memref<1x1x512xi32, #tpu.memory_space<hbm>>
      %dma_start3A_219 = tpu.memref_squeeze %dma_start3A_218 : memref<1x1x512xi32, #tpu.memory_space<hbm>> -> memref<512xi32, #tpu.memory_space<hbm>>
      %dma_start3A_220 = arith.constant 0 : i32
      %dma_start3A_221 = tpu.memref_slice %arg3[%select_n3A, %select_n3A_54, %dma_start3A_220] : memref<4x3x512xi32, #tpu.memory_space<hbm>> -> memref<1x1x512xi32, #tpu.memory_space<hbm>>
      %dma_start3A_222 = tpu.memref_squeeze %dma_start3A_221 : memref<1x1x512xi32, #tpu.memory_space<hbm>> -> memref<512xi32, #tpu.memory_space<hbm>>
      tpu.enqueue_dma source(%dma_start3A_222 : memref<512xi32, #tpu.memory_space<hbm>>) target(%arg5 : memref<512xi32, #tpu.memory_space<vmem>>) target_semaphore(%run_scoped3A : memref<!tpu.dma_semaphore, #tpu.memory_space<semaphore_mem>>)
      %dma_wait3A = arith.constant 0 : i32
      %dma_wait3A_223 = tpu.memref_slice %arg3[%select_n3A, %select_n3A_54, %dma_wait3A] : memref<4x3x512xi32, #tpu.memory_space<hbm>> -> memref<1x1x512xi32, #tpu.memory_space<hbm>>
      %dma_wait3A_224 = tpu.memref_squeeze %dma_wait3A_223 : memref<1x1x512xi32, #tpu.memory_space<hbm>> -> memref<512xi32, #tpu.memory_space<hbm>>
      %dma_wait3A_225 = arith.constant 0 : i32
      %dma_wait3A_226 = tpu.memref_slice %arg3[%select_n3A, %select_n3A_54, %dma_wait3A_225] : memref<4x3x512xi32, #tpu.memory_space<hbm>> -> memref<1x1x512xi32, #tpu.memory_space<hbm>>
      %dma_wait3A_227 = tpu.memref_squeeze %dma_wait3A_226 : memref<1x1x512xi32, #tpu.memory_space<hbm>> -> memref<512xi32, #tpu.memory_space<hbm>>
      tpu.wait_dma2 semaphore(%run_scoped3A : memref<!tpu.dma_semaphore, #tpu.memory_space<semaphore_mem>>) src(%dma_wait3A_227 : memref<512xi32, #tpu.memory_space<hbm>>) dst(%arg5 : memref<512xi32, #tpu.memory_space<vmem>>)
      tpu.yield
    }) : () -> ()
    "tpu.region"() ({
      %run_scoped3A = tpu.sem_alloc : memref<!tpu.dma_semaphore, #tpu.memory_space<semaphore_mem>>
      %dma_start3A = arith.constant 0 : i32
      %dma_start3A_218 = tpu.memref_slice %arg2[%select_n3A, %sub3A_57, %dma_start3A] : memref<4x3x512xf32, #tpu.memory_space<hbm>> -> memref<1x1x512xf32, #tpu.memory_space<hbm>>
      %dma_start3A_219 = tpu.memref_squeeze %dma_start3A_218 : memref<1x1x512xf32, #tpu.memory_space<hbm>> -> memref<512xf32, #tpu.memory_space<hbm>>
      %dma_start3A_220 = arith.constant 0 : i32
      %dma_start3A_221 = tpu.memref_slice %arg2[%select_n3A, %sub3A_57, %dma_start3A_220] : memref<4x3x512xf32, #tpu.memory_space<hbm>> -> memref<1x1x512xf32, #tpu.memory_space<hbm>>
      %dma_start3A_222 = tpu.memref_squeeze %dma_start3A_221 : memref<1x1x512xf32, #tpu.memory_space<hbm>> -> memref<512xf32, #tpu.memory_space<hbm>>
      tpu.enqueue_dma source(%dma_start3A_222 : memref<512xf32, #tpu.memory_space<hbm>>) target(%arg6 : memref<512xf32, #tpu.memory_space<vmem>>) target_semaphore(%run_scoped3A : memref<!tpu.dma_semaphore, #tpu.memory_space<semaphore_mem>>)
      %dma_wait3A = arith.constant 0 : i32
      %dma_wait3A_223 = tpu.memref_slice %arg2[%select_n3A, %sub3A_57, %dma_wait3A] : memref<4x3x512xf32, #tpu.memory_space<hbm>> -> memref<1x1x512xf32, #tpu.memory_space<hbm>>
      %dma_wait3A_224 = tpu.memref_squeeze %dma_wait3A_223 : memref<1x1x512xf32, #tpu.memory_space<hbm>> -> memref<512xf32, #tpu.memory_space<hbm>>
      %dma_wait3A_225 = arith.constant 0 : i32
      %dma_wait3A_226 = tpu.memref_slice %arg2[%select_n3A, %sub3A_57, %dma_wait3A_225] : memref<4x3x512xf32, #tpu.memory_space<hbm>> -> memref<1x1x512xf32, #tpu.memory_space<hbm>>
      %dma_wait3A_227 = tpu.memref_squeeze %dma_wait3A_226 : memref<1x1x512xf32, #tpu.memory_space<hbm>> -> memref<512xf32, #tpu.memory_space<hbm>>
      tpu.wait_dma2 semaphore(%run_scoped3A : memref<!tpu.dma_semaphore, #tpu.memory_space<semaphore_mem>>) src(%dma_wait3A_227 : memref<512xf32, #tpu.memory_space<hbm>>) dst(%arg6 : memref<512xf32, #tpu.memory_space<vmem>>)
      tpu.yield
    }) : () -> ()
    %get3A = arith.constant 0 : index
    %get3A_58 = tpu.vector_load %arg5[%get3A] {strides = array<i32>} : memref<512xi32, #tpu.memory_space<vmem>>, vector<16xi32>,
    %gather3A = tpu.vector_load_idx %arg6[%get3A_58] : memref<512xf32, #tpu.memory_space<vmem>>[vector<16xi32>], vector<16xf32>,
    %swap3A = arith.constant 0 : index
    %swap3A_59 = tpu.vector_load %arg7[%swap3A] {strides = array<i32>} : memref<512xf32, #tpu.memory_space<vmem>>, vector<16xf32>,
    tpu.vector_store %arg7[%swap3A], %gather3A {strides = array<i32>} : memref<512xf32, #tpu.memory_space<vmem>>, vector<16xf32>,
    %get3A_60 = arith.constant 16 : index
    %get3A_61 = tpu.vector_load %arg5[%get3A_60] {strides = array<i32>} : memref<512xi32, #tpu.memory_space<vmem>>, vector<16xi32>,
    %gather3A_62 = tpu.vector_load_idx %arg6[%get3A_61] : memref<512xf32, #tpu.memory_space<vmem>>[vector<16xi32>], vector<16xf32>,
    %swap3A_63 = arith.constant 16 : index
    %swap3A_64 = tpu.vector_load %arg7[%swap3A_63] {strides = array<i32>} : memref<512xf32, #tpu.memory_space<vmem>>, vector<16xf32>,
    tpu.vector_store %arg7[%swap3A_63], %gather3A_62 {strides = array<i32>} : memref<512xf32, #tpu.memory_space<vmem>>, vector<16xf32>,
    %get3A_65 = arith.constant 32 : index
    %get3A_66 = tpu.vector_load %arg5[%get3A_65] {strides = array<i32>} : memref<512xi32, #tpu.memory_space<vmem>>, vector<16xi32>,
    %gather3A_67 = tpu.vector_load_idx %arg6[%get3A_66] : memref<512xf32, #tpu.memory_space<vmem>>[vector<16xi32>], vector<16xf32>,
    %swap3A_68 = arith.constant 32 : index
    %swap3A_69 = tpu.vector_load %arg7[%swap3A_68] {strides = array<i32>} : memref<512xf32, #tpu.memory_space<vmem>>, vector<16xf32>,
    tpu.vector_store %arg7[%swap3A_68], %gather3A_67 {strides = array<i32>} : memref<512xf32, #tpu.memory_space<vmem>>, vector<16xf32>,
    %get3A_70 = arith.constant 48 : index
    %get3A_71 = tpu.vector_load %arg5[%get3A_70] {strides = array<i32>} : memref<512xi32, #tpu.memory_space<vmem>>, vector<16xi32>,
    %gather3A_72 = tpu.vector_load_idx %arg6[%get3A_71] : memref<512xf32, #tpu.memory_space<vmem>>[vector<16xi32>], vector<16xf32>,
    %swap3A_73 = arith.constant 48 : index
    %swap3A_74 = tpu.vector_load %arg7[%swap3A_73] {strides = array<i32>} : memref<512xf32, #tpu.memory_space<vmem>>, vector<16xf32>,
    tpu.vector_store %arg7[%swap3A_73], %gather3A_72 {strides = array<i32>} : memref<512xf32, #tpu.memory_space<vmem>>, vector<16xf32>,
    %get3A_75 = arith.constant 64 : index
    %get3A_76 = tpu.vector_load %arg5[%get3A_75] {strides = array<i32>} : memref<512xi32, #tpu.memory_space<vmem>>, vector<16xi32>,
    %gather3A_77 = tpu.vector_load_idx %arg6[%get3A_76] : memref<512xf32, #tpu.memory_space<vmem>>[vector<16xi32>], vector<16xf32>,
    %swap3A_78 = arith.constant 64 : index
    %swap3A_79 = tpu.vector_load %arg7[%swap3A_78] {strides = array<i32>} : memref<512xf32, #tpu.memory_space<vmem>>, vector<16xf32>,
    tpu.vector_store %arg7[%swap3A_78], %gather3A_77 {strides = array<i32>} : memref<512xf32, #tpu.memory_space<vmem>>, vector<16xf32>,
    %get3A_80 = arith.constant 80 : index
    %get3A_81 = tpu.vector_load %arg5[%get3A_80] {strides = array<i32>} : memref<512xi32, #tpu.memory_space<vmem>>, vector<16xi32>,
    %gather3A_82 = tpu.vector_load_idx %arg6[%get3A_81] : memref<512xf32, #tpu.memory_space<vmem>>[vector<16xi32>], vector<16xf32>,
    %swap3A_83 = arith.constant 80 : index
    %swap3A_84 = tpu.vector_load %arg7[%swap3A_83] {strides = array<i32>} : memref<512xf32, #tpu.memory_space<vmem>>, vector<16xf32>,
    tpu.vector_store %arg7[%swap3A_83], %gather3A_82 {strides = array<i32>} : memref<512xf32, #tpu.memory_space<vmem>>, vector<16xf32>,
    %get3A_85 = arith.constant 96 : index
    %get3A_86 = tpu.vector_load %arg5[%get3A_85] {strides = array<i32>} : memref<512xi32, #tpu.memory_space<vmem>>, vector<16xi32>,
    %gather3A_87 = tpu.vector_load_idx %arg6[%get3A_86] : memref<512xf32, #tpu.memory_space<vmem>>[vector<16xi32>], vector<16xf32>,
    %swap3A_88 = arith.constant 96 : index
    %swap3A_89 = tpu.vector_load %arg7[%swap3A_88] {strides = array<i32>} : memref<512xf32, #tpu.memory_space<vmem>>, vector<16xf32>,
    tpu.vector_store %arg7[%swap3A_88], %gather3A_87 {strides = array<i32>} : memref<512xf32, #tpu.memory_space<vmem>>, vector<16xf32>,
    %get3A_90 = arith.constant 112 : index
    %get3A_91 = tpu.vector_load %arg5[%get3A_90] {strides = array<i32>} : memref<512xi32, #tpu.memory_space<vmem>>, vector<16xi32>,
    %gather3A_92 = tpu.vector_load_idx %arg6[%get3A_91] : memref<512xf32, #tpu.memory_space<vmem>>[vector<16xi32>], vector<16xf32>,
    %swap3A_93 = arith.constant 112 : index
    %swap3A_94 = tpu.vector_load %arg7[%swap3A_93] {strides = array<i32>} : memref<512xf32, #tpu.memory_space<vmem>>, vector<16xf32>,
    tpu.vector_store %arg7[%swap3A_93], %gather3A_92 {strides = array<i32>} : memref<512xf32, #tpu.memory_space<vmem>>, vector<16xf32>,
    %get3A_95 = arith.constant 128 : index
    %get3A_96 = tpu.vector_load %arg5[%get3A_95] {strides = array<i32>} : memref<512xi32, #tpu.memory_space<vmem>>, vector<16xi32>,
    %gather3A_97 = tpu.vector_load_idx %arg6[%get3A_96] : memref<512xf32, #tpu.memory_space<vmem>>[vector<16xi32>], vector<16xf32>,
    %swap3A_98 = arith.constant 128 : index
    %swap3A_99 = tpu.vector_load %arg7[%swap3A_98] {strides = array<i32>} : memref<512xf32, #tpu.memory_space<vmem>>, vector<16xf32>,
    tpu.vector_store %arg7[%swap3A_98], %gather3A_97 {strides = array<i32>} : memref<512xf32, #tpu.memory_space<vmem>>, vector<16xf32>,
    %get3A_100 = arith.constant 144 : index
    %get3A_101 = tpu.vector_load %arg5[%get3A_100] {strides = array<i32>} : memref<512xi32, #tpu.memory_space<vmem>>, vector<16xi32>,
    %gather3A_102 = tpu.vector_load_idx %arg6[%get3A_101] : memref<512xf32, #tpu.memory_space<vmem>>[vector<16xi32>], vector<16xf32>,
    %swap3A_103 = arith.constant 144 : index
    %swap3A_104 = tpu.vector_load %arg7[%swap3A_103] {strides = array<i32>} : memref<512xf32, #tpu.memory_space<vmem>>, vector<16xf32>,
    tpu.vector_store %arg7[%swap3A_103], %gather3A_102 {strides = array<i32>} : memref<512xf32, #tpu.memory_space<vmem>>, vector<16xf32>,
    %get3A_105 = arith.constant 160 : index
    %get3A_106 = tpu.vector_load %arg5[%get3A_105] {strides = array<i32>} : memref<512xi32, #tpu.memory_space<vmem>>, vector<16xi32>,
    %gather3A_107 = tpu.vector_load_idx %arg6[%get3A_106] : memref<512xf32, #tpu.memory_space<vmem>>[vector<16xi32>], vector<16xf32>,
    %swap3A_108 = arith.constant 160 : index
    %swap3A_109 = tpu.vector_load %arg7[%swap3A_108] {strides = array<i32>} : memref<512xf32, #tpu.memory_space<vmem>>, vector<16xf32>,
    tpu.vector_store %arg7[%swap3A_108], %gather3A_107 {strides = array<i32>} : memref<512xf32, #tpu.memory_space<vmem>>, vector<16xf32>,
    %get3A_110 = arith.constant 176 : index
    %get3A_111 = tpu.vector_load %arg5[%get3A_110] {strides = array<i32>} : memref<512xi32, #tpu.memory_space<vmem>>, vector<16xi32>,
    %gather3A_112 = tpu.vector_load_idx %arg6[%get3A_111] : memref<512xf32, #tpu.memory_space<vmem>>[vector<16xi32>], vector<16xf32>,
    %swap3A_113 = arith.constant 176 : index
    %swap3A_114 = tpu.vector_load %arg7[%swap3A_113] {strides = array<i32>} : memref<512xf32, #tpu.memory_space<vmem>>, vector<16xf32>,
    tpu.vector_store %arg7[%swap3A_113], %gather3A_112 {strides = array<i32>} : memref<512xf32, #tpu.memory_space<vmem>>, vector<16xf32>,
    %get3A_115 = arith.constant 192 : index
    %get3A_116 = tpu.vector_load %arg5[%get3A_115] {strides = array<i32>} : memref<512xi32, #tpu.memory_space<vmem>>, vector<16xi32>,
    %gather3A_117 = tpu.vector_load_idx %arg6[%get3A_116] : memref<512xf32, #tpu.memory_space<vmem>>[vector<16xi32>], vector<16xf32>,
    %swap3A_118 = arith.constant 192 : index
    %swap3A_119 = tpu.vector_load %arg7[%swap3A_118] {strides = array<i32>} : memref<512xf32, #tpu.memory_space<vmem>>, vector<16xf32>,
    tpu.vector_store %arg7[%swap3A_118], %gather3A_117 {strides = array<i32>} : memref<512xf32, #tpu.memory_space<vmem>>, vector<16xf32>,
    %get3A_120 = arith.constant 208 : index
    %get3A_121 = tpu.vector_load %arg5[%get3A_120] {strides = array<i32>} : memref<512xi32, #tpu.memory_space<vmem>>, vector<16xi32>,
    %gather3A_122 = tpu.vector_load_idx %arg6[%get3A_121] : memref<512xf32, #tpu.memory_space<vmem>>[vector<16xi32>], vector<16xf32>,
    %swap3A_123 = arith.constant 208 : index
    %swap3A_124 = tpu.vector_load %arg7[%swap3A_123] {strides = array<i32>} : memref<512xf32, #tpu.memory_space<vmem>>, vector<16xf32>,
    tpu.vector_store %arg7[%swap3A_123], %gather3A_122 {strides = array<i32>} : memref<512xf32, #tpu.memory_space<vmem>>, vector<16xf32>,
    %get3A_125 = arith.constant 224 : index
    %get3A_126 = tpu.vector_load %arg5[%get3A_125] {strides = array<i32>} : memref<512xi32, #tpu.memory_space<vmem>>, vector<16xi32>,
    %gather3A_127 = tpu.vector_load_idx %arg6[%get3A_126] : memref<512xf32, #tpu.memory_space<vmem>>[vector<16xi32>], vector<16xf32>,
    %swap3A_128 = arith.constant 224 : index
    %swap3A_129 = tpu.vector_load %arg7[%swap3A_128] {strides = array<i32>} : memref<512xf32, #tpu.memory_space<vmem>>, vector<16xf32>,
    tpu.vector_store %arg7[%swap3A_128], %gather3A_127 {strides = array<i32>} : memref<512xf32, #tpu.memory_space<vmem>>, vector<16xf32>,
    %get3A_130 = arith.constant 240 : index
    %get3A_131 = tpu.vector_load %arg5[%get3A_130] {strides = array<i32>} : memref<512xi32, #tpu.memory_space<vmem>>, vector<16xi32>,
    %gather3A_132 = tpu.vector_load_idx %arg6[%get3A_131] : memref<512xf32, #tpu.memory_space<vmem>>[vector<16xi32>], vector<16xf32>,
    %swap3A_133 = arith.constant 240 : index
    %swap3A_134 = tpu.vector_load %arg7[%swap3A_133] {strides = array<i32>} : memref<512xf32, #tpu.memory_space<vmem>>, vector<16xf32>,
    tpu.vector_store %arg7[%swap3A_133], %gather3A_132 {strides = array<i32>} : memref<512xf32, #tpu.memory_space<vmem>>, vector<16xf32>,
    %get3A_135 = arith.constant 256 : index
    %get3A_136 = tpu.vector_load %arg5[%get3A_135] {strides = array<i32>} : memref<512xi32, #tpu.memory_space<vmem>>, vector<16xi32>,
    %gather3A_137 = tpu.vector_load_idx %arg6[%get3A_136] : memref<512xf32, #tpu.memory_space<vmem>>[vector<16xi32>], vector<16xf32>,
    %swap3A_138 = arith.constant 256 : index
    %swap3A_139 = tpu.vector_load %arg7[%swap3A_138] {strides = array<i32>} : memref<512xf32, #tpu.memory_space<vmem>>, vector<16xf32>,
    tpu.vector_store %arg7[%swap3A_138], %gather3A_137 {strides = array<i32>} : memref<512xf32, #tpu.memory_space<vmem>>, vector<16xf32>,
    %get3A_140 = arith.constant 272 : index
    %get3A_141 = tpu.vector_load %arg5[%get3A_140] {strides = array<i32>} : memref<512xi32, #tpu.memory_space<vmem>>, vector<16xi32>,
    %gather3A_142 = tpu.vector_load_idx %arg6[%get3A_141] : memref<512xf32, #tpu.memory_space<vmem>>[vector<16xi32>], vector<16xf32>,
    %swap3A_143 = arith.constant 272 : index
    %swap3A_144 = tpu.vector_load %arg7[%swap3A_143] {strides = array<i32>} : memref<512xf32, #tpu.memory_space<vmem>>, vector<16xf32>,
    tpu.vector_store %arg7[%swap3A_143], %gather3A_142 {strides = array<i32>} : memref<512xf32, #tpu.memory_space<vmem>>, vector<16xf32>,
    %get3A_145 = arith.constant 288 : index
    %get3A_146 = tpu.vector_load %arg5[%get3A_145] {strides = array<i32>} : memref<512xi32, #tpu.memory_space<vmem>>, vector<16xi32>,
    %gather3A_147 = tpu.vector_load_idx %arg6[%get3A_146] : memref<512xf32, #tpu.memory_space<vmem>>[vector<16xi32>], vector<16xf32>,
    %swap3A_148 = arith.constant 288 : index
    %swap3A_149 = tpu.vector_load %arg7[%swap3A_148] {strides = array<i32>} : memref<512xf32, #tpu.memory_space<vmem>>, vector<16xf32>,
    tpu.vector_store %arg7[%swap3A_148], %gather3A_147 {strides = array<i32>} : memref<512xf32, #tpu.memory_space<vmem>>, vector<16xf32>,
    %get3A_150 = arith.constant 304 : index
    %get3A_151 = tpu.vector_load %arg5[%get3A_150] {strides = array<i32>} : memref<512xi32, #tpu.memory_space<vmem>>, vector<16xi32>,
    %gather3A_152 = tpu.vector_load_idx %arg6[%get3A_151] : memref<512xf32, #tpu.memory_space<vmem>>[vector<16xi32>], vector<16xf32>,
    %swap3A_153 = arith.constant 304 : index
    %swap3A_154 = tpu.vector_load %arg7[%swap3A_153] {strides = array<i32>} : memref<512xf32, #tpu.memory_space<vmem>>, vector<16xf32>,
    tpu.vector_store %arg7[%swap3A_153], %gather3A_152 {strides = array<i32>} : memref<512xf32, #tpu.memory_space<vmem>>, vector<16xf32>,
    %get3A_155 = arith.constant 320 : index
    %get3A_156 = tpu.vector_load %arg5[%get3A_155] {strides = array<i32>} : memref<512xi32, #tpu.memory_space<vmem>>, vector<16xi32>,
    %gather3A_157 = tpu.vector_load_idx %arg6[%get3A_156] : memref<512xf32, #tpu.memory_space<vmem>>[vector<16xi32>], vector<16xf32>,
    %swap3A_158 = arith.constant 320 : index
    %swap3A_159 = tpu.vector_load %arg7[%swap3A_158] {strides = array<i32>} : memref<512xf32, #tpu.memory_space<vmem>>, vector<16xf32>,
    tpu.vector_store %arg7[%swap3A_158], %gather3A_157 {strides = array<i32>} : memref<512xf32, #tpu.memory_space<vmem>>, vector<16xf32>,
    %get3A_160 = arith.constant 336 : index
    %get3A_161 = tpu.vector_load %arg5[%get3A_160] {strides = array<i32>} : memref<512xi32, #tpu.memory_space<vmem>>, vector<16xi32>,
    %gather3A_162 = tpu.vector_load_idx %arg6[%get3A_161] : memref<512xf32, #tpu.memory_space<vmem>>[vector<16xi32>], vector<16xf32>,
    %swap3A_163 = arith.constant 336 : index
    %swap3A_164 = tpu.vector_load %arg7[%swap3A_163] {strides = array<i32>} : memref<512xf32, #tpu.memory_space<vmem>>, vector<16xf32>,
    tpu.vector_store %arg7[%swap3A_163], %gather3A_162 {strides = array<i32>} : memref<512xf32, #tpu.memory_space<vmem>>, vector<16xf32>,
    %get3A_165 = arith.constant 352 : index
    %get3A_166 = tpu.vector_load %arg5[%get3A_165] {strides = array<i32>} : memref<512xi32, #tpu.memory_space<vmem>>, vector<16xi32>,
    %gather3A_167 = tpu.vector_load_idx %arg6[%get3A_166] : memref<512xf32, #tpu.memory_space<vmem>>[vector<16xi32>], vector<16xf32>,
    %swap3A_168 = arith.constant 352 : index
    %swap3A_169 = tpu.vector_load %arg7[%swap3A_168] {strides = array<i32>} : memref<512xf32, #tpu.memory_space<vmem>>, vector<16xf32>,
    tpu.vector_store %arg7[%swap3A_168], %gather3A_167 {strides = array<i32>} : memref<512xf32, #tpu.memory_space<vmem>>, vector<16xf32>,
    %get3A_170 = arith.constant 368 : index
    %get3A_171 = tpu.vector_load %arg5[%get3A_170] {strides = array<i32>} : memref<512xi32, #tpu.memory_space<vmem>>, vector<16xi32>,
    %gather3A_172 = tpu.vector_load_idx %arg6[%get3A_171] : memref<512xf32, #tpu.memory_space<vmem>>[vector<16xi32>], vector<16xf32>,
    %swap3A_173 = arith.constant 368 : index
    %swap3A_174 = tpu.vector_load %arg7[%swap3A_173] {strides = array<i32>} : memref<512xf32, #tpu.memory_space<vmem>>, vector<16xf32>,
    tpu.vector_store %arg7[%swap3A_173], %gather3A_172 {strides = array<i32>} : memref<512xf32, #tpu.memory_space<vmem>>, vector<16xf32>,
    %get3A_175 = arith.constant 384 : index
    %get3A_176 = tpu.vector_load %arg5[%get3A_175] {strides = array<i32>} : memref<512xi32, #tpu.memory_space<vmem>>, vector<16xi32>,
    %gather3A_177 = tpu.vector_load_idx %arg6[%get3A_176] : memref<512xf32, #tpu.memory_space<vmem>>[vector<16xi32>], vector<16xf32>,
    %swap3A_178 = arith.constant 384 : index
    %swap3A_179 = tpu.vector_load %arg7[%swap3A_178] {strides = array<i32>} : memref<512xf32, #tpu.memory_space<vmem>>, vector<16xf32>,
    tpu.vector_store %arg7[%swap3A_178], %gather3A_177 {strides = array<i32>} : memref<512xf32, #tpu.memory_space<vmem>>, vector<16xf32>,
    %get3A_180 = arith.constant 400 : index
    %get3A_181 = tpu.vector_load %arg5[%get3A_180] {strides = array<i32>} : memref<512xi32, #tpu.memory_space<vmem>>, vector<16xi32>,
    %gather3A_182 = tpu.vector_load_idx %arg6[%get3A_181] : memref<512xf32, #tpu.memory_space<vmem>>[vector<16xi32>], vector<16xf32>,
    %swap3A_183 = arith.constant 400 : index
    %swap3A_184 = tpu.vector_load %arg7[%swap3A_183] {strides = array<i32>} : memref<512xf32, #tpu.memory_space<vmem>>, vector<16xf32>,
    tpu.vector_store %arg7[%swap3A_183], %gather3A_182 {strides = array<i32>} : memref<512xf32, #tpu.memory_space<vmem>>, vector<16xf32>,
    %get3A_185 = arith.constant 416 : index
    %get3A_186 = tpu.vector_load %arg5[%get3A_185] {strides = array<i32>} : memref<512xi32, #tpu.memory_space<vmem>>, vector<16xi32>,
    %gather3A_187 = tpu.vector_load_idx %arg6[%get3A_186] : memref<512xf32, #tpu.memory_space<vmem>>[vector<16xi32>], vector<16xf32>,
    %swap3A_188 = arith.constant 416 : index
    %swap3A_189 = tpu.vector_load %arg7[%swap3A_188] {strides = array<i32>} : memref<512xf32, #tpu.memory_space<vmem>>, vector<16xf32>,
    tpu.vector_store %arg7[%swap3A_188], %gather3A_187 {strides = array<i32>} : memref<512xf32, #tpu.memory_space<vmem>>, vector<16xf32>,
    %get3A_190 = arith.constant 432 : index
    %get3A_191 = tpu.vector_load %arg5[%get3A_190] {strides = array<i32>} : memref<512xi32, #tpu.memory_space<vmem>>, vector<16xi32>,
    %gather3A_192 = tpu.vector_load_idx %arg6[%get3A_191] : memref<512xf32, #tpu.memory_space<vmem>>[vector<16xi32>], vector<16xf32>,
    %swap3A_193 = arith.constant 432 : index
    %swap3A_194 = tpu.vector_load %arg7[%swap3A_193] {strides = array<i32>} : memref<512xf32, #tpu.memory_space<vmem>>, vector<16xf32>,
    tpu.vector_store %arg7[%swap3A_193], %gather3A_192 {strides = array<i32>} : memref<512xf32, #tpu.memory_space<vmem>>, vector<16xf32>,
    %get3A_195 = arith.constant 448 : index
    %get3A_196 = tpu.vector_load %arg5[%get3A_195] {strides = array<i32>} : memref<512xi32, #tpu.memory_space<vmem>>, vector<16xi32>,
    %gather3A_197 = tpu.vector_load_idx %arg6[%get3A_196] : memref<512xf32, #tpu.memory_space<vmem>>[vector<16xi32>], vector<16xf32>,
    %swap3A_198 = arith.constant 448 : index
    %swap3A_199 = tpu.vector_load %arg7[%swap3A_198] {strides = array<i32>} : memref<512xf32, #tpu.memory_space<vmem>>, vector<16xf32>,
    tpu.vector_store %arg7[%swap3A_198], %gather3A_197 {strides = array<i32>} : memref<512xf32, #tpu.memory_space<vmem>>, vector<16xf32>,
    %get3A_200 = arith.constant 464 : index
    %get3A_201 = tpu.vector_load %arg5[%get3A_200] {strides = array<i32>} : memref<512xi32, #tpu.memory_space<vmem>>, vector<16xi32>,
    %gather3A_202 = tpu.vector_load_idx %arg6[%get3A_201] : memref<512xf32, #tpu.memory_space<vmem>>[vector<16xi32>], vector<16xf32>,
    %swap3A_203 = arith.constant 464 : index
    %swap3A_204 = tpu.vector_load %arg7[%swap3A_203] {strides = array<i32>} : memref<512xf32, #tpu.memory_space<vmem>>, vector<16xf32>,
    tpu.vector_store %arg7[%swap3A_203], %gather3A_202 {strides = array<i32>} : memref<512xf32, #tpu.memory_space<vmem>>, vector<16xf32>,
    %get3A_205 = arith.constant 480 : index
    %get3A_206 = tpu.vector_load %arg5[%get3A_205] {strides = array<i32>} : memref<512xi32, #tpu.memory_space<vmem>>, vector<16xi32>,
    %gather3A_207 = tpu.vector_load_idx %arg6[%get3A_206] : memref<512xf32, #tpu.memory_space<vmem>>[vector<16xi32>], vector<16xf32>,
    %swap3A_208 = arith.constant 480 : index
    %swap3A_209 = tpu.vector_load %arg7[%swap3A_208] {strides = array<i32>} : memref<512xf32, #tpu.memory_space<vmem>>, vector<16xf32>,
    tpu.vector_store %arg7[%swap3A_208], %gather3A_207 {strides = array<i32>} : memref<512xf32, #tpu.memory_space<vmem>>, vector<16xf32>,
    %get3A_210 = arith.constant 496 : index
    %get3A_211 = tpu.vector_load %arg5[%get3A_210] {strides = array<i32>} : memref<512xi32, #tpu.memory_space<vmem>>, vector<16xi32>,
    %gather3A_212 = tpu.vector_load_idx %arg6[%get3A_211] : memref<512xf32, #tpu.memory_space<vmem>>[vector<16xi32>], vector<16xf32>,
    %swap3A_213 = arith.constant 496 : index
    %swap3A_214 = tpu.vector_load %arg7[%swap3A_213] {strides = array<i32>} : memref<512xf32, #tpu.memory_space<vmem>>, vector<16xf32>,
    tpu.vector_store %arg7[%swap3A_213], %gather3A_212 {strides = array<i32>} : memref<512xf32, #tpu.memory_space<vmem>>, vector<16xf32>,
    "tpu.region"() ({
      %run_scoped3A = tpu.sem_alloc : memref<!tpu.dma_semaphore, #tpu.memory_space<semaphore_mem>>
      %dma_start3A = arith.constant 0 : i32
      %dma_start3A_218 = tpu.memref_slice %arg4[%select_n3A, %select_n3A_30, %dma_start3A] : memref<4x9x512xf32, #tpu.memory_space<hbm>> -> memref<1x1x512xf32, #tpu.memory_space<hbm>>
      %dma_start3A_219 = tpu.memref_squeeze %dma_start3A_218 : memref<1x1x512xf32, #tpu.memory_space<hbm>> -> memref<512xf32, #tpu.memory_space<hbm>>
      %dma_start3A_220 = arith.constant 0 : i32
      %dma_start3A_221 = tpu.memref_slice %arg4[%select_n3A, %select_n3A_30, %dma_start3A_220] : memref<4x9x512xf32, #tpu.memory_space<hbm>> -> memref<1x1x512xf32, #tpu.memory_space<hbm>>
      %dma_start3A_222 = tpu.memref_squeeze %dma_start3A_221 : memref<1x1x512xf32, #tpu.memory_space<hbm>> -> memref<512xf32, #tpu.memory_space<hbm>>
      tpu.enqueue_dma source(%arg7 : memref<512xf32, #tpu.memory_space<vmem>>) target(%dma_start3A_222 : memref<512xf32, #tpu.memory_space<hbm>>) target_semaphore(%run_scoped3A : memref<!tpu.dma_semaphore, #tpu.memory_space<semaphore_mem>>)
      %dma_wait3A = arith.constant 0 : i32
      %dma_wait3A_223 = tpu.memref_slice %arg4[%select_n3A, %select_n3A_30, %dma_wait3A] : memref<4x9x512xf32, #tpu.memory_space<hbm>> -> memref<1x1x512xf32, #tpu.memory_space<hbm>>
      %dma_wait3A_224 = tpu.memref_squeeze %dma_wait3A_223 : memref<1x1x512xf32, #tpu.memory_space<hbm>> -> memref<512xf32, #tpu.memory_space<hbm>>
      %dma_wait3A_225 = arith.constant 0 : i32
      %dma_wait3A_226 = tpu.memref_slice %arg4[%select_n3A, %select_n3A_30, %dma_wait3A_225] : memref<4x9x512xf32, #tpu.memory_space<hbm>> -> memref<1x1x512xf32, #tpu.memory_space<hbm>>
      %dma_wait3A_227 = tpu.memref_squeeze %dma_wait3A_226 : memref<1x1x512xf32, #tpu.memory_space<hbm>> -> memref<512xf32, #tpu.memory_space<hbm>>
      tpu.wait_dma2 semaphore(%run_scoped3A : memref<!tpu.dma_semaphore, #tpu.memory_space<semaphore_mem>>) src(%arg7 : memref<512xf32, #tpu.memory_space<vmem>>) dst(%dma_wait3A_227 : memref<512xf32, #tpu.memory_space<hbm>>)
      tpu.yield
    }) : () -> ()
    %lt3A_215 = arith.constant 4 : i32
    %lt3A_216 = arith.cmpi slt, %add3A, %lt3A_215 : i32
    %convert_element_type3A = arith.extui %lt3A_216 : i1 to i32
    %cond3A = arith.constant 0 : i32
    %cond3A_217 = arith.cmpi ne, %convert_element_type3A, %cond3A : i32
    scf.if %cond3A_217 {
      %add3A_218 = arith.constant 32 : i32
      %add3A_219 = arith.addi %add3A, %add3A_218 : i32
      %jit3A_220 = arith.constant 9 : i32
      %div3A_221 = arith.divsi %add3A_219, %jit3A_220 : i32
      %sign3A_222 = arith.constant 0 : i32
      %sign3A_223 = arith.cmpi sgt, %add3A_219, %sign3A_222 : i32
      %sign3A_224 = arith.extui %sign3A_223 : i1 to i32
      %sign3A_225 = arith.constant 0 : i32
      %sign3A_226 = arith.cmpi slt, %add3A_219, %sign3A_225 : i32
      %sign3A_227 = arith.extui %sign3A_226 : i1 to i32
      %sign3A_228 = arith.subi %sign3A_224, %sign3A_227 : i32
      %sign3A_229 = arith.constant 0 : i32
      %sign3A_230 = arith.cmpi sgt, %jit3A_220, %sign3A_229 : i32
      %sign3A_231 = arith.extui %sign3A_230 : i1 to i32
      %sign3A_232 = arith.constant 0 : i32
      %sign3A_233 = arith.cmpi slt, %jit3A_220, %sign3A_232 : i32
      %sign3A_234 = arith.extui %sign3A_233 : i1 to i32
      %sign3A_235 = arith.subi %sign3A_231, %sign3A_234 : i32
      %ne3A_236 = arith.cmpi ne, %sign3A_228, %sign3A_235 : i32
      %rem3A_237 = arith.remsi %add3A_219, %jit3A_220 : i32
      %ne3A_238 = arith.constant 0 : i32
      %ne3A_239 = arith.cmpi ne, %rem3A_237, %ne3A_238 : i32
      %and3A_240 = arith.andi %ne3A_236, %ne3A_239 : i1
      %sub3A_241 = arith.constant 1 : i32
      %sub3A_242 = arith.subi %div3A_221, %sub3A_241 : i32
      %select_n3A_243 = arith.select %and3A_240, %sub3A_242, %div3A_221 : i32
      %jit3A_244 = arith.constant 9 : i32
      %eq3A_245 = arith.constant 0 : i32
      %eq3A_246 = arith.cmpi eq, %jit3A_244, %eq3A_245 : i32
      %jit3A_247 = arith.constant 1 : i32
      %select_n3A_248 = arith.select %eq3A_246, %jit3A_247, %jit3A_244 : i32
      %rem3A_249 = arith.remsi %add3A_219, %select_n3A_248 : i32
      %ne3A_250 = arith.constant 0 : i32
      %ne3A_251 = arith.cmpi ne, %rem3A_249, %ne3A_250 : i32
      %lt3A_252 = arith.constant 0 : i32
      %lt3A_253 = arith.cmpi slt, %rem3A_249, %lt3A_252 : i32
      %lt3A_254 = arith.constant 0 : i32
      %lt3A_255 = arith.cmpi slt, %select_n3A_248, %lt3A_254 : i32
      %ne3A_256 = arith.xori %lt3A_253, %lt3A_255 : i1
      %and3A_257 = arith.andi %ne3A_256, %ne3A_251 : i1
      %add3A_258 = arith.addi %rem3A_249, %select_n3A_248 : i32
      %select_n3A_259 = arith.select %and3A_257, %add3A_258, %rem3A_249 : i32
      %jit3A_260 = arith.constant 3 : i32
      %div3A_261 = arith.divsi %select_n3A_259, %jit3A_260 : i32
      %sign3A_262 = arith.constant 0 : i32
      %sign3A_263 = arith.cmpi sgt, %select_n3A_259, %sign3A_262 : i32
      %sign3A_264 = arith.extui %sign3A_263 : i1 to i32
      %sign3A_265 = arith.constant 0 : i32
      %sign3A_266 = arith.cmpi slt, %select_n3A_259, %sign3A_265 : i32
      %sign3A_267 = arith.extui %sign3A_266 : i1 to i32
      %sign3A_268 = arith.subi %sign3A_264, %sign3A_267 : i32
      %sign3A_269 = arith.constant 0 : i32
      %sign3A_270 = arith.cmpi sgt, %jit3A_260, %sign3A_269 : i32
      %sign3A_271 = arith.extui %sign3A_270 : i1 to i32
      %sign3A_272 = arith.constant 0 : i32
      %sign3A_273 = arith.cmpi slt, %jit3A_260, %sign3A_272 : i32
      %sign3A_274 = arith.extui %sign3A_273 : i1 to i32
      %sign3A_275 = arith.subi %sign3A_271, %sign3A_274 : i32
      %ne3A_276 = arith.cmpi ne, %sign3A_268, %sign3A_275 : i32
      %rem3A_277 = arith.remsi %select_n3A_259, %jit3A_260 : i32
      %ne3A_278 = arith.constant 0 : i32
      %ne3A_279 = arith.cmpi ne, %rem3A_277, %ne3A_278 : i32
      %and3A_280 = arith.andi %ne3A_276, %ne3A_279 : i1
      %sub3A_281 = arith.constant 1 : i32
      %sub3A_282 = arith.subi %div3A_261, %sub3A_281 : i32
      %select_n3A_283 = arith.select %and3A_280, %sub3A_282, %div3A_261 : i32
      %mul3A_284 = arith.constant 3 : i32
      %mul3A_285 = arith.muli %select_n3A_283, %mul3A_284 : i32
      %sub3A_286 = arith.subi %select_n3A_259, %mul3A_285 : i32
      "tpu.region"() ({
        %run_scoped3A = tpu.sem_alloc : memref<!tpu.dma_semaphore, #tpu.memory_space<semaphore_mem>>
        %dma_start3A = arith.constant 0 : i32
        %dma_start3A_447 = tpu.memref_slice %arg3[%select_n3A_243, %select_n3A_283, %dma_start3A] : memref<4x3x512xi32, #tpu.memory_space<hbm>> -> memref<1x1x512xi32, #tpu.memory_space<hbm>>
        %dma_start3A_448 = tpu.memref_squeeze %dma_start3A_447 : memref<1x1x512xi32, #tpu.memory_space<hbm>> -> memref<512xi32, #tpu.memory_space<hbm>>
        %dma_start3A_449 = arith.constant 0 : i32
        %dma_start3A_450 = tpu.memref_slice %arg3[%select_n3A_243, %select_n3A_283, %dma_start3A_449] : memref<4x3x512xi32, #tpu.memory_space<hbm>> -> memref<1x1x512xi32, #tpu.memory_space<hbm>>
        %dma_start3A_451 = tpu.memref_squeeze %dma_start3A_450 : memref<1x1x512xi32, #tpu.memory_space<hbm>> -> memref<512xi32, #tpu.memory_space<hbm>>
        tpu.enqueue_dma source(%dma_start3A_451 : memref<512xi32, #tpu.memory_space<hbm>>) target(%arg5 : memref<512xi32, #tpu.memory_space<vmem>>) target_semaphore(%run_scoped3A : memref<!tpu.dma_semaphore, #tpu.memory_space<semaphore_mem>>)
        %dma_wait3A = arith.constant 0 : i32
        %dma_wait3A_452 = tpu.memref_slice %arg3[%select_n3A_243, %select_n3A_283, %dma_wait3A] : memref<4x3x512xi32, #tpu.memory_space<hbm>> -> memref<1x1x512xi32, #tpu.memory_space<hbm>>
        %dma_wait3A_453 = tpu.memref_squeeze %dma_wait3A_452 : memref<1x1x512xi32, #tpu.memory_space<hbm>> -> memref<512xi32, #tpu.memory_space<hbm>>
        %dma_wait3A_454 = arith.constant 0 : i32
        %dma_wait3A_455 = tpu.memref_slice %arg3[%select_n3A_243, %select_n3A_283, %dma_wait3A_454] : memref<4x3x512xi32, #tpu.memory_space<hbm>> -> memref<1x1x512xi32, #tpu.memory_space<hbm>>
        %dma_wait3A_456 = tpu.memref_squeeze %dma_wait3A_455 : memref<1x1x512xi32, #tpu.memory_space<hbm>> -> memref<512xi32, #tpu.memory_space<hbm>>
        tpu.wait_dma2 semaphore(%run_scoped3A : memref<!tpu.dma_semaphore, #tpu.memory_space<semaphore_mem>>) src(%dma_wait3A_456 : memref<512xi32, #tpu.memory_space<hbm>>) dst(%arg5 : memref<512xi32, #tpu.memory_space<vmem>>)
        tpu.yield
      }) : () -> ()
      "tpu.region"() ({
        %run_scoped3A = tpu.sem_alloc : memref<!tpu.dma_semaphore, #tpu.memory_space<semaphore_mem>>
        %dma_start3A = arith.constant 0 : i32
        %dma_start3A_447 = tpu.memref_slice %arg2[%select_n3A_243, %sub3A_286, %dma_start3A] : memref<4x3x512xf32, #tpu.memory_space<hbm>> -> memref<1x1x512xf32, #tpu.memory_space<hbm>>
        %dma_start3A_448 = tpu.memref_squeeze %dma_start3A_447 : memref<1x1x512xf32, #tpu.memory_space<hbm>> -> memref<512xf32, #tpu.memory_space<hbm>>
        %dma_start3A_449 = arith.constant 0 : i32
        %dma_start3A_450 = tpu.memref_slice %arg2[%select_n3A_243, %sub3A_286, %dma_start3A_449] : memref<4x3x512xf32, #tpu.memory_space<hbm>> -> memref<1x1x512xf32, #tpu.memory_space<hbm>>
        %dma_start3A_451 = tpu.memref_squeeze %dma_start3A_450 : memref<1x1x512xf32, #tpu.memory_space<hbm>> -> memref<512xf32, #tpu.memory_space<hbm>>
        tpu.enqueue_dma source(%dma_start3A_451 : memref<512xf32, #tpu.memory_space<hbm>>) target(%arg6 : memref<512xf32, #tpu.memory_space<vmem>>) target_semaphore(%run_scoped3A : memref<!tpu.dma_semaphore, #tpu.memory_space<semaphore_mem>>)
        %dma_wait3A = arith.constant 0 : i32
        %dma_wait3A_452 = tpu.memref_slice %arg2[%select_n3A_243, %sub3A_286, %dma_wait3A] : memref<4x3x512xf32, #tpu.memory_space<hbm>> -> memref<1x1x512xf32, #tpu.memory_space<hbm>>
        %dma_wait3A_453 = tpu.memref_squeeze %dma_wait3A_452 : memref<1x1x512xf32, #tpu.memory_space<hbm>> -> memref<512xf32, #tpu.memory_space<hbm>>
        %dma_wait3A_454 = arith.constant 0 : i32
        %dma_wait3A_455 = tpu.memref_slice %arg2[%select_n3A_243, %sub3A_286, %dma_wait3A_454] : memref<4x3x512xf32, #tpu.memory_space<hbm>> -> memref<1x1x512xf32, #tpu.memory_space<hbm>>
        %dma_wait3A_456 = tpu.memref_squeeze %dma_wait3A_455 : memref<1x1x512xf32, #tpu.memory_space<hbm>> -> memref<512xf32, #tpu.memory_space<hbm>>
        tpu.wait_dma2 semaphore(%run_scoped3A : memref<!tpu.dma_semaphore, #tpu.memory_space<semaphore_mem>>) src(%dma_wait3A_456 : memref<512xf32, #tpu.memory_space<hbm>>) dst(%arg6 : memref<512xf32, #tpu.memory_space<vmem>>)
        tpu.yield
      }) : () -> ()
      %get3A_287 = arith.constant 0 : index
      %get3A_288 = tpu.vector_load %arg5[%get3A_287] {strides = array<i32>} : memref<512xi32, #tpu.memory_space<vmem>>, vector<16xi32>,
      %gather3A_289 = tpu.vector_load_idx %arg6[%get3A_288] : memref<512xf32, #tpu.memory_space<vmem>>[vector<16xi32>], vector<16xf32>,
      %swap3A_290 = arith.constant 0 : index
      %swap3A_291 = tpu.vector_load %arg7[%swap3A_290] {strides = array<i32>} : memref<512xf32, #tpu.memory_space<vmem>>, vector<16xf32>,
      tpu.vector_store %arg7[%swap3A_290], %gather3A_289 {strides = array<i32>} : memref<512xf32, #tpu.memory_space<vmem>>, vector<16xf32>,
      %get3A_292 = arith.constant 16 : index
      %get3A_293 = tpu.vector_load %arg5[%get3A_292] {strides = array<i32>} : memref<512xi32, #tpu.memory_space<vmem>>, vector<16xi32>,
      %gather3A_294 = tpu.vector_load_idx %arg6[%get3A_293] : memref<512xf32, #tpu.memory_space<vmem>>[vector<16xi32>], vector<16xf32>,
      %swap3A_295 = arith.constant 16 : index
      %swap3A_296 = tpu.vector_load %arg7[%swap3A_295] {strides = array<i32>} : memref<512xf32, #tpu.memory_space<vmem>>, vector<16xf32>,
      tpu.vector_store %arg7[%swap3A_295], %gather3A_294 {strides = array<i32>} : memref<512xf32, #tpu.memory_space<vmem>>, vector<16xf32>,
      %get3A_297 = arith.constant 32 : index
      %get3A_298 = tpu.vector_load %arg5[%get3A_297] {strides = array<i32>} : memref<512xi32, #tpu.memory_space<vmem>>, vector<16xi32>,
      %gather3A_299 = tpu.vector_load_idx %arg6[%get3A_298] : memref<512xf32, #tpu.memory_space<vmem>>[vector<16xi32>], vector<16xf32>,
      %swap3A_300 = arith.constant 32 : index
      %swap3A_301 = tpu.vector_load %arg7[%swap3A_300] {strides = array<i32>} : memref<512xf32, #tpu.memory_space<vmem>>, vector<16xf32>,
      tpu.vector_store %arg7[%swap3A_300], %gather3A_299 {strides = array<i32>} : memref<512xf32, #tpu.memory_space<vmem>>, vector<16xf32>,
      %get3A_302 = arith.constant 48 : index
      %get3A_303 = tpu.vector_load %arg5[%get3A_302] {strides = array<i32>} : memref<512xi32, #tpu.memory_space<vmem>>, vector<16xi32>,
      %gather3A_304 = tpu.vector_load_idx %arg6[%get3A_303] : memref<512xf32, #tpu.memory_space<vmem>>[vector<16xi32>], vector<16xf32>,
      %swap3A_305 = arith.constant 48 : index
      %swap3A_306 = tpu.vector_load %arg7[%swap3A_305] {strides = array<i32>} : memref<512xf32, #tpu.memory_space<vmem>>, vector<16xf32>,
      tpu.vector_store %arg7[%swap3A_305], %gather3A_304 {strides = array<i32>} : memref<512xf32, #tpu.memory_space<vmem>>, vector<16xf32>,
      %get3A_307 = arith.constant 64 : index
      %get3A_308 = tpu.vector_load %arg5[%get3A_307] {strides = array<i32>} : memref<512xi32, #tpu.memory_space<vmem>>, vector<16xi32>,
      %gather3A_309 = tpu.vector_load_idx %arg6[%get3A_308] : memref<512xf32, #tpu.memory_space<vmem>>[vector<16xi32>], vector<16xf32>,
      %swap3A_310 = arith.constant 64 : index
      %swap3A_311 = tpu.vector_load %arg7[%swap3A_310] {strides = array<i32>} : memref<512xf32, #tpu.memory_space<vmem>>, vector<16xf32>,
      tpu.vector_store %arg7[%swap3A_310], %gather3A_309 {strides = array<i32>} : memref<512xf32, #tpu.memory_space<vmem>>, vector<16xf32>,
      %get3A_312 = arith.constant 80 : index
      %get3A_313 = tpu.vector_load %arg5[%get3A_312] {strides = array<i32>} : memref<512xi32, #tpu.memory_space<vmem>>, vector<16xi32>,
      %gather3A_314 = tpu.vector_load_idx %arg6[%get3A_313] : memref<512xf32, #tpu.memory_space<vmem>>[vector<16xi32>], vector<16xf32>,
      %swap3A_315 = arith.constant 80 : index
      %swap3A_316 = tpu.vector_load %arg7[%swap3A_315] {strides = array<i32>} : memref<512xf32, #tpu.memory_space<vmem>>, vector<16xf32>,
      tpu.vector_store %arg7[%swap3A_315], %gather3A_314 {strides = array<i32>} : memref<512xf32, #tpu.memory_space<vmem>>, vector<16xf32>,
      %get3A_317 = arith.constant 96 : index
      %get3A_318 = tpu.vector_load %arg5[%get3A_317] {strides = array<i32>} : memref<512xi32, #tpu.memory_space<vmem>>, vector<16xi32>,
      %gather3A_319 = tpu.vector_load_idx %arg6[%get3A_318] : memref<512xf32, #tpu.memory_space<vmem>>[vector<16xi32>], vector<16xf32>,
      %swap3A_320 = arith.constant 96 : index
      %swap3A_321 = tpu.vector_load %arg7[%swap3A_320] {strides = array<i32>} : memref<512xf32, #tpu.memory_space<vmem>>, vector<16xf32>,
      tpu.vector_store %arg7[%swap3A_320], %gather3A_319 {strides = array<i32>} : memref<512xf32, #tpu.memory_space<vmem>>, vector<16xf32>,
      %get3A_322 = arith.constant 112 : index
      %get3A_323 = tpu.vector_load %arg5[%get3A_322] {strides = array<i32>} : memref<512xi32, #tpu.memory_space<vmem>>, vector<16xi32>,
      %gather3A_324 = tpu.vector_load_idx %arg6[%get3A_323] : memref<512xf32, #tpu.memory_space<vmem>>[vector<16xi32>], vector<16xf32>,
      %swap3A_325 = arith.constant 112 : index
      %swap3A_326 = tpu.vector_load %arg7[%swap3A_325] {strides = array<i32>} : memref<512xf32, #tpu.memory_space<vmem>>, vector<16xf32>,
      tpu.vector_store %arg7[%swap3A_325], %gather3A_324 {strides = array<i32>} : memref<512xf32, #tpu.memory_space<vmem>>, vector<16xf32>,
      %get3A_327 = arith.constant 128 : index
      %get3A_328 = tpu.vector_load %arg5[%get3A_327] {strides = array<i32>} : memref<512xi32, #tpu.memory_space<vmem>>, vector<16xi32>,
      %gather3A_329 = tpu.vector_load_idx %arg6[%get3A_328] : memref<512xf32, #tpu.memory_space<vmem>>[vector<16xi32>], vector<16xf32>,
      %swap3A_330 = arith.constant 128 : index
      %swap3A_331 = tpu.vector_load %arg7[%swap3A_330] {strides = array<i32>} : memref<512xf32, #tpu.memory_space<vmem>>, vector<16xf32>,
      tpu.vector_store %arg7[%swap3A_330], %gather3A_329 {strides = array<i32>} : memref<512xf32, #tpu.memory_space<vmem>>, vector<16xf32>,
      %get3A_332 = arith.constant 144 : index
      %get3A_333 = tpu.vector_load %arg5[%get3A_332] {strides = array<i32>} : memref<512xi32, #tpu.memory_space<vmem>>, vector<16xi32>,
      %gather3A_334 = tpu.vector_load_idx %arg6[%get3A_333] : memref<512xf32, #tpu.memory_space<vmem>>[vector<16xi32>], vector<16xf32>,
      %swap3A_335 = arith.constant 144 : index
      %swap3A_336 = tpu.vector_load %arg7[%swap3A_335] {strides = array<i32>} : memref<512xf32, #tpu.memory_space<vmem>>, vector<16xf32>,
      tpu.vector_store %arg7[%swap3A_335], %gather3A_334 {strides = array<i32>} : memref<512xf32, #tpu.memory_space<vmem>>, vector<16xf32>,
      %get3A_337 = arith.constant 160 : index
      %get3A_338 = tpu.vector_load %arg5[%get3A_337] {strides = array<i32>} : memref<512xi32, #tpu.memory_space<vmem>>, vector<16xi32>,
      %gather3A_339 = tpu.vector_load_idx %arg6[%get3A_338] : memref<512xf32, #tpu.memory_space<vmem>>[vector<16xi32>], vector<16xf32>,
      %swap3A_340 = arith.constant 160 : index
      %swap3A_341 = tpu.vector_load %arg7[%swap3A_340] {strides = array<i32>} : memref<512xf32, #tpu.memory_space<vmem>>, vector<16xf32>,
      tpu.vector_store %arg7[%swap3A_340], %gather3A_339 {strides = array<i32>} : memref<512xf32, #tpu.memory_space<vmem>>, vector<16xf32>,
      %get3A_342 = arith.constant 176 : index
      %get3A_343 = tpu.vector_load %arg5[%get3A_342] {strides = array<i32>} : memref<512xi32, #tpu.memory_space<vmem>>, vector<16xi32>,
      %gather3A_344 = tpu.vector_load_idx %arg6[%get3A_343] : memref<512xf32, #tpu.memory_space<vmem>>[vector<16xi32>], vector<16xf32>,
      %swap3A_345 = arith.constant 176 : index
      %swap3A_346 = tpu.vector_load %arg7[%swap3A_345] {strides = array<i32>} : memref<512xf32, #tpu.memory_space<vmem>>, vector<16xf32>,
      tpu.vector_store %arg7[%swap3A_345], %gather3A_344 {strides = array<i32>} : memref<512xf32, #tpu.memory_space<vmem>>, vector<16xf32>,
      %get3A_347 = arith.constant 192 : index
      %get3A_348 = tpu.vector_load %arg5[%get3A_347] {strides = array<i32>} : memref<512xi32, #tpu.memory_space<vmem>>, vector<16xi32>,
      %gather3A_349 = tpu.vector_load_idx %arg6[%get3A_348] : memref<512xf32, #tpu.memory_space<vmem>>[vector<16xi32>], vector<16xf32>,
      %swap3A_350 = arith.constant 192 : index
      %swap3A_351 = tpu.vector_load %arg7[%swap3A_350] {strides = array<i32>} : memref<512xf32, #tpu.memory_space<vmem>>, vector<16xf32>,
      tpu.vector_store %arg7[%swap3A_350], %gather3A_349 {strides = array<i32>} : memref<512xf32, #tpu.memory_space<vmem>>, vector<16xf32>,
      %get3A_352 = arith.constant 208 : index
      %get3A_353 = tpu.vector_load %arg5[%get3A_352] {strides = array<i32>} : memref<512xi32, #tpu.memory_space<vmem>>, vector<16xi32>,
      %gather3A_354 = tpu.vector_load_idx %arg6[%get3A_353] : memref<512xf32, #tpu.memory_space<vmem>>[vector<16xi32>], vector<16xf32>,
      %swap3A_355 = arith.constant 208 : index
      %swap3A_356 = tpu.vector_load %arg7[%swap3A_355] {strides = array<i32>} : memref<512xf32, #tpu.memory_space<vmem>>, vector<16xf32>,
      tpu.vector_store %arg7[%swap3A_355], %gather3A_354 {strides = array<i32>} : memref<512xf32, #tpu.memory_space<vmem>>, vector<16xf32>,
      %get3A_357 = arith.constant 224 : index
      %get3A_358 = tpu.vector_load %arg5[%get3A_357] {strides = array<i32>} : memref<512xi32, #tpu.memory_space<vmem>>, vector<16xi32>,
      %gather3A_359 = tpu.vector_load_idx %arg6[%get3A_358] : memref<512xf32, #tpu.memory_space<vmem>>[vector<16xi32>], vector<16xf32>,
      %swap3A_360 = arith.constant 224 : index
      %swap3A_361 = tpu.vector_load %arg7[%swap3A_360] {strides = array<i32>} : memref<512xf32, #tpu.memory_space<vmem>>, vector<16xf32>,
      tpu.vector_store %arg7[%swap3A_360], %gather3A_359 {strides = array<i32>} : memref<512xf32, #tpu.memory_space<vmem>>, vector<16xf32>,
      %get3A_362 = arith.constant 240 : index
      %get3A_363 = tpu.vector_load %arg5[%get3A_362] {strides = array<i32>} : memref<512xi32, #tpu.memory_space<vmem>>, vector<16xi32>,
      %gather3A_364 = tpu.vector_load_idx %arg6[%get3A_363] : memref<512xf32, #tpu.memory_space<vmem>>[vector<16xi32>], vector<16xf32>,
      %swap3A_365 = arith.constant 240 : index
      %swap3A_366 = tpu.vector_load %arg7[%swap3A_365] {strides = array<i32>} : memref<512xf32, #tpu.memory_space<vmem>>, vector<16xf32>,
      tpu.vector_store %arg7[%swap3A_365], %gather3A_364 {strides = array<i32>} : memref<512xf32, #tpu.memory_space<vmem>>, vector<16xf32>,
      %get3A_367 = arith.constant 256 : index
      %get3A_368 = tpu.vector_load %arg5[%get3A_367] {strides = array<i32>} : memref<512xi32, #tpu.memory_space<vmem>>, vector<16xi32>,
      %gather3A_369 = tpu.vector_load_idx %arg6[%get3A_368] : memref<512xf32, #tpu.memory_space<vmem>>[vector<16xi32>], vector<16xf32>,
      %swap3A_370 = arith.constant 256 : index
      %swap3A_371 = tpu.vector_load %arg7[%swap3A_370] {strides = array<i32>} : memref<512xf32, #tpu.memory_space<vmem>>, vector<16xf32>,
      tpu.vector_store %arg7[%swap3A_370], %gather3A_369 {strides = array<i32>} : memref<512xf32, #tpu.memory_space<vmem>>, vector<16xf32>,
      %get3A_372 = arith.constant 272 : index
      %get3A_373 = tpu.vector_load %arg5[%get3A_372] {strides = array<i32>} : memref<512xi32, #tpu.memory_space<vmem>>, vector<16xi32>,
      %gather3A_374 = tpu.vector_load_idx %arg6[%get3A_373] : memref<512xf32, #tpu.memory_space<vmem>>[vector<16xi32>], vector<16xf32>,
      %swap3A_375 = arith.constant 272 : index
      %swap3A_376 = tpu.vector_load %arg7[%swap3A_375] {strides = array<i32>} : memref<512xf32, #tpu.memory_space<vmem>>, vector<16xf32>,
      tpu.vector_store %arg7[%swap3A_375], %gather3A_374 {strides = array<i32>} : memref<512xf32, #tpu.memory_space<vmem>>, vector<16xf32>,
      %get3A_377 = arith.constant 288 : index
      %get3A_378 = tpu.vector_load %arg5[%get3A_377] {strides = array<i32>} : memref<512xi32, #tpu.memory_space<vmem>>, vector<16xi32>,
      %gather3A_379 = tpu.vector_load_idx %arg6[%get3A_378] : memref<512xf32, #tpu.memory_space<vmem>>[vector<16xi32>], vector<16xf32>,
      %swap3A_380 = arith.constant 288 : index
      %swap3A_381 = tpu.vector_load %arg7[%swap3A_380] {strides = array<i32>} : memref<512xf32, #tpu.memory_space<vmem>>, vector<16xf32>,
      tpu.vector_store %arg7[%swap3A_380], %gather3A_379 {strides = array<i32>} : memref<512xf32, #tpu.memory_space<vmem>>, vector<16xf32>,
      %get3A_382 = arith.constant 304 : index
      %get3A_383 = tpu.vector_load %arg5[%get3A_382] {strides = array<i32>} : memref<512xi32, #tpu.memory_space<vmem>>, vector<16xi32>,
      %gather3A_384 = tpu.vector_load_idx %arg6[%get3A_383] : memref<512xf32, #tpu.memory_space<vmem>>[vector<16xi32>], vector<16xf32>,
      %swap3A_385 = arith.constant 304 : index
      %swap3A_386 = tpu.vector_load %arg7[%swap3A_385] {strides = array<i32>} : memref<512xf32, #tpu.memory_space<vmem>>, vector<16xf32>,
      tpu.vector_store %arg7[%swap3A_385], %gather3A_384 {strides = array<i32>} : memref<512xf32, #tpu.memory_space<vmem>>, vector<16xf32>,
      %get3A_387 = arith.constant 320 : index
      %get3A_388 = tpu.vector_load %arg5[%get3A_387] {strides = array<i32>} : memref<512xi32, #tpu.memory_space<vmem>>, vector<16xi32>,
      %gather3A_389 = tpu.vector_load_idx %arg6[%get3A_388] : memref<512xf32, #tpu.memory_space<vmem>>[vector<16xi32>], vector<16xf32>,
      %swap3A_390 = arith.constant 320 : index
      %swap3A_391 = tpu.vector_load %arg7[%swap3A_390] {strides = array<i32>} : memref<512xf32, #tpu.memory_space<vmem>>, vector<16xf32>,
      tpu.vector_store %arg7[%swap3A_390], %gather3A_389 {strides = array<i32>} : memref<512xf32, #tpu.memory_space<vmem>>, vector<16xf32>,
      %get3A_392 = arith.constant 336 : index
      %get3A_393 = tpu.vector_load %arg5[%get3A_392] {strides = array<i32>} : memref<512xi32, #tpu.memory_space<vmem>>, vector<16xi32>,
      %gather3A_394 = tpu.vector_load_idx %arg6[%get3A_393] : memref<512xf32, #tpu.memory_space<vmem>>[vector<16xi32>], vector<16xf32>,
      %swap3A_395 = arith.constant 336 : index
      %swap3A_396 = tpu.vector_load %arg7[%swap3A_395] {strides = array<i32>} : memref<512xf32, #tpu.memory_space<vmem>>, vector<16xf32>,
      tpu.vector_store %arg7[%swap3A_395], %gather3A_394 {strides = array<i32>} : memref<512xf32, #tpu.memory_space<vmem>>, vector<16xf32>,
      %get3A_397 = arith.constant 352 : index
      %get3A_398 = tpu.vector_load %arg5[%get3A_397] {strides = array<i32>} : memref<512xi32, #tpu.memory_space<vmem>>, vector<16xi32>,
      %gather3A_399 = tpu.vector_load_idx %arg6[%get3A_398] : memref<512xf32, #tpu.memory_space<vmem>>[vector<16xi32>], vector<16xf32>,
      %swap3A_400 = arith.constant 352 : index
      %swap3A_401 = tpu.vector_load %arg7[%swap3A_400] {strides = array<i32>} : memref<512xf32, #tpu.memory_space<vmem>>, vector<16xf32>,
      tpu.vector_store %arg7[%swap3A_400], %gather3A_399 {strides = array<i32>} : memref<512xf32, #tpu.memory_space<vmem>>, vector<16xf32>,
      %get3A_402 = arith.constant 368 : index
      %get3A_403 = tpu.vector_load %arg5[%get3A_402] {strides = array<i32>} : memref<512xi32, #tpu.memory_space<vmem>>, vector<16xi32>,
      %gather3A_404 = tpu.vector_load_idx %arg6[%get3A_403] : memref<512xf32, #tpu.memory_space<vmem>>[vector<16xi32>], vector<16xf32>,
      %swap3A_405 = arith.constant 368 : index
      %swap3A_406 = tpu.vector_load %arg7[%swap3A_405] {strides = array<i32>} : memref<512xf32, #tpu.memory_space<vmem>>, vector<16xf32>,
      tpu.vector_store %arg7[%swap3A_405], %gather3A_404 {strides = array<i32>} : memref<512xf32, #tpu.memory_space<vmem>>, vector<16xf32>,
      %get3A_407 = arith.constant 384 : index
      %get3A_408 = tpu.vector_load %arg5[%get3A_407] {strides = array<i32>} : memref<512xi32, #tpu.memory_space<vmem>>, vector<16xi32>,
      %gather3A_409 = tpu.vector_load_idx %arg6[%get3A_408] : memref<512xf32, #tpu.memory_space<vmem>>[vector<16xi32>], vector<16xf32>,
      %swap3A_410 = arith.constant 384 : index
      %swap3A_411 = tpu.vector_load %arg7[%swap3A_410] {strides = array<i32>} : memref<512xf32, #tpu.memory_space<vmem>>, vector<16xf32>,
      tpu.vector_store %arg7[%swap3A_410], %gather3A_409 {strides = array<i32>} : memref<512xf32, #tpu.memory_space<vmem>>, vector<16xf32>,
      %get3A_412 = arith.constant 400 : index
      %get3A_413 = tpu.vector_load %arg5[%get3A_412] {strides = array<i32>} : memref<512xi32, #tpu.memory_space<vmem>>, vector<16xi32>,
      %gather3A_414 = tpu.vector_load_idx %arg6[%get3A_413] : memref<512xf32, #tpu.memory_space<vmem>>[vector<16xi32>], vector<16xf32>,
      %swap3A_415 = arith.constant 400 : index
      %swap3A_416 = tpu.vector_load %arg7[%swap3A_415] {strides = array<i32>} : memref<512xf32, #tpu.memory_space<vmem>>, vector<16xf32>,
      tpu.vector_store %arg7[%swap3A_415], %gather3A_414 {strides = array<i32>} : memref<512xf32, #tpu.memory_space<vmem>>, vector<16xf32>,
      %get3A_417 = arith.constant 416 : index
      %get3A_418 = tpu.vector_load %arg5[%get3A_417] {strides = array<i32>} : memref<512xi32, #tpu.memory_space<vmem>>, vector<16xi32>,
      %gather3A_419 = tpu.vector_load_idx %arg6[%get3A_418] : memref<512xf32, #tpu.memory_space<vmem>>[vector<16xi32>], vector<16xf32>,
      %swap3A_420 = arith.constant 416 : index
      %swap3A_421 = tpu.vector_load %arg7[%swap3A_420] {strides = array<i32>} : memref<512xf32, #tpu.memory_space<vmem>>, vector<16xf32>,
      tpu.vector_store %arg7[%swap3A_420], %gather3A_419 {strides = array<i32>} : memref<512xf32, #tpu.memory_space<vmem>>, vector<16xf32>,
      %get3A_422 = arith.constant 432 : index
      %get3A_423 = tpu.vector_load %arg5[%get3A_422] {strides = array<i32>} : memref<512xi32, #tpu.memory_space<vmem>>, vector<16xi32>,
      %gather3A_424 = tpu.vector_load_idx %arg6[%get3A_423] : memref<512xf32, #tpu.memory_space<vmem>>[vector<16xi32>], vector<16xf32>,
      %swap3A_425 = arith.constant 432 : index
      %swap3A_426 = tpu.vector_load %arg7[%swap3A_425] {strides = array<i32>} : memref<512xf32, #tpu.memory_space<vmem>>, vector<16xf32>,
      tpu.vector_store %arg7[%swap3A_425], %gather3A_424 {strides = array<i32>} : memref<512xf32, #tpu.memory_space<vmem>>, vector<16xf32>,
      %get3A_427 = arith.constant 448 : index
      %get3A_428 = tpu.vector_load %arg5[%get3A_427] {strides = array<i32>} : memref<512xi32, #tpu.memory_space<vmem>>, vector<16xi32>,
      %gather3A_429 = tpu.vector_load_idx %arg6[%get3A_428] : memref<512xf32, #tpu.memory_space<vmem>>[vector<16xi32>], vector<16xf32>,
      %swap3A_430 = arith.constant 448 : index
      %swap3A_431 = tpu.vector_load %arg7[%swap3A_430] {strides = array<i32>} : memref<512xf32, #tpu.memory_space<vmem>>, vector<16xf32>,
      tpu.vector_store %arg7[%swap3A_430], %gather3A_429 {strides = array<i32>} : memref<512xf32, #tpu.memory_space<vmem>>, vector<16xf32>,
      %get3A_432 = arith.constant 464 : index
      %get3A_433 = tpu.vector_load %arg5[%get3A_432] {strides = array<i32>} : memref<512xi32, #tpu.memory_space<vmem>>, vector<16xi32>,
      %gather3A_434 = tpu.vector_load_idx %arg6[%get3A_433] : memref<512xf32, #tpu.memory_space<vmem>>[vector<16xi32>], vector<16xf32>,
      %swap3A_435 = arith.constant 464 : index
      %swap3A_436 = tpu.vector_load %arg7[%swap3A_435] {strides = array<i32>} : memref<512xf32, #tpu.memory_space<vmem>>, vector<16xf32>,
      tpu.vector_store %arg7[%swap3A_435], %gather3A_434 {strides = array<i32>} : memref<512xf32, #tpu.memory_space<vmem>>, vector<16xf32>,
      %get3A_437 = arith.constant 480 : index
      %get3A_438 = tpu.vector_load %arg5[%get3A_437] {strides = array<i32>} : memref<512xi32, #tpu.memory_space<vmem>>, vector<16xi32>,
      %gather3A_439 = tpu.vector_load_idx %arg6[%get3A_438] : memref<512xf32, #tpu.memory_space<vmem>>[vector<16xi32>], vector<16xf32>,
      %swap3A_440 = arith.constant 480 : index
      %swap3A_441 = tpu.vector_load %arg7[%swap3A_440] {strides = array<i32>} : memref<512xf32, #tpu.memory_space<vmem>>, vector<16xf32>,
      tpu.vector_store %arg7[%swap3A_440], %gather3A_439 {strides = array<i32>} : memref<512xf32, #tpu.memory_space<vmem>>, vector<16xf32>,
      %get3A_442 = arith.constant 496 : index
      %get3A_443 = tpu.vector_load %arg5[%get3A_442] {strides = array<i32>} : memref<512xi32, #tpu.memory_space<vmem>>, vector<16xi32>,
      %gather3A_444 = tpu.vector_load_idx %arg6[%get3A_443] : memref<512xf32, #tpu.memory_space<vmem>>[vector<16xi32>], vector<16xf32>,
      %swap3A_445 = arith.constant 496 : index
      %swap3A_446 = tpu.vector_load %arg7[%swap3A_445] {strides = array<i32>} : memref<512xf32, #tpu.memory_space<vmem>>, vector<16xf32>,
      tpu.vector_store %arg7[%swap3A_445], %gather3A_444 {strides = array<i32>} : memref<512xf32, #tpu.memory_space<vmem>>, vector<16xf32>,
      "tpu.region"() ({
        %run_scoped3A = tpu.sem_alloc : memref<!tpu.dma_semaphore, #tpu.memory_space<semaphore_mem>>
        %dma_start3A = arith.constant 0 : i32
        %dma_start3A_447 = tpu.memref_slice %arg4[%select_n3A_243, %select_n3A_259, %dma_start3A] : memref<4x9x512xf32, #tpu.memory_space<hbm>> -> memref<1x1x512xf32, #tpu.memory_space<hbm>>
        %dma_start3A_448 = tpu.memref_squeeze %dma_start3A_447 : memref<1x1x512xf32, #tpu.memory_space<hbm>> -> memref<512xf32, #tpu.memory_space<hbm>>
        %dma_start3A_449 = arith.constant 0 : i32
        %dma_start3A_450 = tpu.memref_slice %arg4[%select_n3A_243, %select_n3A_259, %dma_start3A_449] : memref<4x9x512xf32, #tpu.memory_space<hbm>> -> memref<1x1x512xf32, #tpu.memory_space<hbm>>
        %dma_start3A_451 = tpu.memref_squeeze %dma_start3A_450 : memref<1x1x512xf32, #tpu.memory_space<hbm>> -> memref<512xf32, #tpu.memory_space<hbm>>
        tpu.enqueue_dma source(%arg7 : memref<512xf32, #tpu.memory_space<vmem>>) target(%dma_start3A_451 : memref<512xf32, #tpu.memory_space<hbm>>) target_semaphore(%run_scoped3A : memref<!tpu.dma_semaphore, #tpu.memory_space<semaphore_mem>>)
        %dma_wait3A = arith.constant 0 : i32
        %dma_wait3A_452 = tpu.memref_slice %arg4[%select_n3A_243, %select_n3A_259, %dma_wait3A] : memref<4x9x512xf32, #tpu.memory_space<hbm>> -> memref<1x1x512xf32, #tpu.memory_space<hbm>>
        %dma_wait3A_453 = tpu.memref_squeeze %dma_wait3A_452 : memref<1x1x512xf32, #tpu.memory_space<hbm>> -> memref<512xf32, #tpu.memory_space<hbm>>
        %dma_wait3A_454 = arith.constant 0 : i32
        %dma_wait3A_455 = tpu.memref_slice %arg4[%select_n3A_243, %select_n3A_259, %dma_wait3A_454] : memref<4x9x512xf32, #tpu.memory_space<hbm>> -> memref<1x1x512xf32, #tpu.memory_space<hbm>>
        %dma_wait3A_456 = tpu.memref_squeeze %dma_wait3A_455 : memref<1x1x512xf32, #tpu.memory_space<hbm>> -> memref<512xf32, #tpu.memory_space<hbm>>
        tpu.wait_dma2 semaphore(%run_scoped3A : memref<!tpu.dma_semaphore, #tpu.memory_space<semaphore_mem>>) src(%arg7 : memref<512xf32, #tpu.memory_space<vmem>>) dst(%dma_wait3A_456 : memref<512xf32, #tpu.memory_space<hbm>>)
        tpu.yield
      }) : () -> ()
    } else {
    }
    return
  }
}

module attributes {stable_mosaic.version = 14 : i64} {
  func.func @_rast_kernel(%arg0: i32, %arg1: memref<1x2048x3xf32, #tpu.memory_space<vmem>>, %arg2: memref<1x9x512xf32, #tpu.memory_space<vmem>>, %arg3: memref<1x2048x1xf32, #tpu.memory_space<vmem>>) attributes {dimension_semantics = [#tpu.dimension_semantics<arbitrary>], iteration_bounds = array<i64: 4>, scalar_prefetch = 0 : i64, scratch_operands = 0 : i64, tpu.core_type = #tpu.core_type<tc>, window_params = [{transform_indices = @transform_0, window_bounds = array<i64: 1, 2048, 3>}, {transform_indices = @transform_1, window_bounds = array<i64: 1, 9, 512>}, {transform_indices = @transform_2, window_bounds = array<i64: 1, 2048, 1>}]} {
    %get3A = arith.constant 0 : index
    %get3A_0 = arith.constant 0 : index
    %get3A_1 = arith.constant 0 : index
    %get3A_2 = vector.load %arg2[%get3A, %get3A_0, %get3A_1] : memref<1x9x512xf32, #tpu.memory_space<vmem>>, vector<1x1x512xf32>
    %get3A_3 = vector.shape_cast %get3A_2 : vector<1x1x512xf32> to vector<1x512xf32>
    %get3A_4 = arith.constant 0 : index
    %get3A_5 = arith.constant 1 : index
    %get3A_6 = arith.constant 0 : index
    %get3A_7 = vector.load %arg2[%get3A_4, %get3A_5, %get3A_6] : memref<1x9x512xf32, #tpu.memory_space<vmem>>, vector<1x1x512xf32>
    %get3A_8 = vector.shape_cast %get3A_7 : vector<1x1x512xf32> to vector<1x512xf32>
    %get3A_9 = arith.constant 0 : index
    %get3A_10 = arith.constant 2 : index
    %get3A_11 = arith.constant 0 : index
    %get3A_12 = vector.load %arg2[%get3A_9, %get3A_10, %get3A_11] : memref<1x9x512xf32, #tpu.memory_space<vmem>>, vector<1x1x512xf32>
    %get3A_13 = vector.shape_cast %get3A_12 : vector<1x1x512xf32> to vector<1x512xf32>
    %get3A_14 = arith.constant 0 : index
    %get3A_15 = arith.constant 3 : index
    %get3A_16 = arith.constant 0 : index
    %get3A_17 = vector.load %arg2[%get3A_14, %get3A_15, %get3A_16] : memref<1x9x512xf32, #tpu.memory_space<vmem>>, vector<1x1x512xf32>
    %get3A_18 = vector.shape_cast %get3A_17 : vector<1x1x512xf32> to vector<1x512xf32>
    %get3A_19 = arith.constant 0 : index
    %get3A_20 = arith.constant 4 : index
    %get3A_21 = arith.constant 0 : index
    %get3A_22 = vector.load %arg2[%get3A_19, %get3A_20, %get3A_21] : memref<1x9x512xf32, #tpu.memory_space<vmem>>, vector<1x1x512xf32>
    %get3A_23 = vector.shape_cast %get3A_22 : vector<1x1x512xf32> to vector<1x512xf32>
    %get3A_24 = arith.constant 0 : index
    %get3A_25 = arith.constant 5 : index
    %get3A_26 = arith.constant 0 : index
    %get3A_27 = vector.load %arg2[%get3A_24, %get3A_25, %get3A_26] : memref<1x9x512xf32, #tpu.memory_space<vmem>>, vector<1x1x512xf32>
    %get3A_28 = vector.shape_cast %get3A_27 : vector<1x1x512xf32> to vector<1x512xf32>
    %get3A_29 = arith.constant 0 : index
    %get3A_30 = arith.constant 6 : index
    %get3A_31 = arith.constant 0 : index
    %get3A_32 = vector.load %arg2[%get3A_29, %get3A_30, %get3A_31] : memref<1x9x512xf32, #tpu.memory_space<vmem>>, vector<1x1x512xf32>
    %get3A_33 = vector.shape_cast %get3A_32 : vector<1x1x512xf32> to vector<1x512xf32>
    %get3A_34 = arith.constant 0 : index
    %get3A_35 = arith.constant 7 : index
    %get3A_36 = arith.constant 0 : index
    %get3A_37 = vector.load %arg2[%get3A_34, %get3A_35, %get3A_36] : memref<1x9x512xf32, #tpu.memory_space<vmem>>, vector<1x1x512xf32>
    %get3A_38 = vector.shape_cast %get3A_37 : vector<1x1x512xf32> to vector<1x512xf32>
    %get3A_39 = arith.constant 0 : index
    %get3A_40 = arith.constant 8 : index
    %get3A_41 = arith.constant 0 : index
    %get3A_42 = vector.load %arg2[%get3A_39, %get3A_40, %get3A_41] : memref<1x9x512xf32, #tpu.memory_space<vmem>>, vector<1x1x512xf32>
    %get3A_43 = vector.shape_cast %get3A_42 : vector<1x1x512xf32> to vector<1x512xf32>
    %sub3A = arith.subf %get3A_18, %get3A_3 : vector<1x512xf32>
    %sub3A_44 = arith.subf %get3A_23, %get3A_8 : vector<1x512xf32>
    %sub3A_45 = arith.subf %get3A_28, %get3A_13 : vector<1x512xf32>
    %sub3A_46 = arith.subf %get3A_33, %get3A_3 : vector<1x512xf32>
    %sub3A_47 = arith.subf %get3A_38, %get3A_8 : vector<1x512xf32>
    %sub3A_48 = arith.subf %get3A_43, %get3A_13 : vector<1x512xf32>
    %sub3A_49 = arith.subf %get3A_33, %get3A_18 : vector<1x512xf32>
    %sub3A_50 = arith.subf %get3A_38, %get3A_23 : vector<1x512xf32>
    %sub3A_51 = arith.subf %get3A_43, %get3A_28 : vector<1x512xf32>
    %mul3A = arith.mulf %sub3A, %sub3A : vector<1x512xf32>
    %mul3A_52 = arith.mulf %sub3A_44, %sub3A_44 : vector<1x512xf32>
    %add3A = arith.addf %mul3A, %mul3A_52 : vector<1x512xf32>
    %mul3A_53 = arith.mulf %sub3A_45, %sub3A_45 : vector<1x512xf32>
    %add3A_54 = arith.addf %add3A, %mul3A_53 : vector<1x512xf32>
    %mul3A_55 = arith.mulf %sub3A_46, %sub3A_46 : vector<1x512xf32>
    %mul3A_56 = arith.mulf %sub3A_47, %sub3A_47 : vector<1x512xf32>
    %add3A_57 = arith.addf %mul3A_55, %mul3A_56 : vector<1x512xf32>
    %mul3A_58 = arith.mulf %sub3A_48, %sub3A_48 : vector<1x512xf32>
    %add3A_59 = arith.addf %add3A_57, %mul3A_58 : vector<1x512xf32>
    %mul3A_60 = arith.mulf %sub3A_49, %sub3A_49 : vector<1x512xf32>
    %mul3A_61 = arith.mulf %sub3A_50, %sub3A_50 : vector<1x512xf32>
    %add3A_62 = arith.addf %mul3A_60, %mul3A_61 : vector<1x512xf32>
    %mul3A_63 = arith.mulf %sub3A_51, %sub3A_51 : vector<1x512xf32>
    %add3A_64 = arith.addf %add3A_62, %mul3A_63 : vector<1x512xf32>
    %mul3A_65 = arith.mulf %sub3A, %sub3A_46 : vector<1x512xf32>
    %mul3A_66 = arith.mulf %sub3A_44, %sub3A_47 : vector<1x512xf32>
    %add3A_67 = arith.addf %mul3A_65, %mul3A_66 : vector<1x512xf32>
    %mul3A_68 = arith.mulf %sub3A_45, %sub3A_48 : vector<1x512xf32>
    %add3A_69 = arith.addf %add3A_67, %mul3A_68 : vector<1x512xf32>
    %max3A = arith.constant 9.99999996E-13 : f32
    %max3A_70 = vector.broadcast %max3A : f32 to vector<1x512xf32>
    %max3A_71 = arith.maximumf %add3A_54, %max3A_70 : vector<1x512xf32>
    %div3A = arith.constant 1.000000e+00 : f32
    %div3A_72 = vector.broadcast %div3A : f32 to vector<1x512xf32>
    %div3A_73 = arith.divf %div3A_72, %max3A_71 : vector<1x512xf32>
    %max3A_74 = arith.constant 9.99999996E-13 : f32
    %max3A_75 = vector.broadcast %max3A_74 : f32 to vector<1x512xf32>
    %max3A_76 = arith.maximumf %add3A_59, %max3A_75 : vector<1x512xf32>
    %div3A_77 = arith.constant 1.000000e+00 : f32
    %div3A_78 = vector.broadcast %div3A_77 : f32 to vector<1x512xf32>
    %div3A_79 = arith.divf %div3A_78, %max3A_76 : vector<1x512xf32>
    %max3A_80 = arith.constant 9.99999996E-13 : f32
    %max3A_81 = vector.broadcast %max3A_80 : f32 to vector<1x512xf32>
    %max3A_82 = arith.maximumf %add3A_64, %max3A_81 : vector<1x512xf32>
    %div3A_83 = arith.constant 1.000000e+00 : f32
    %div3A_84 = vector.broadcast %div3A_83 : f32 to vector<1x512xf32>
    %div3A_85 = arith.divf %div3A_84, %max3A_82 : vector<1x512xf32>
    %mul3A_86 = arith.mulf %sub3A_44, %sub3A_48 : vector<1x512xf32>
    %mul3A_87 = arith.mulf %sub3A_45, %sub3A_47 : vector<1x512xf32>
    %sub3A_88 = arith.subf %mul3A_86, %mul3A_87 : vector<1x512xf32>
    %mul3A_89 = arith.mulf %sub3A_45, %sub3A_46 : vector<1x512xf32>
    %mul3A_90 = arith.mulf %sub3A, %sub3A_48 : vector<1x512xf32>
    %sub3A_91 = arith.subf %mul3A_89, %mul3A_90 : vector<1x512xf32>
    %mul3A_92 = arith.mulf %sub3A, %sub3A_47 : vector<1x512xf32>
    %mul3A_93 = arith.mulf %sub3A_44, %sub3A_46 : vector<1x512xf32>
    %sub3A_94 = arith.subf %mul3A_92, %mul3A_93 : vector<1x512xf32>
    %mul3A_95 = arith.mulf %sub3A_88, %sub3A_88 : vector<1x512xf32>
    %mul3A_96 = arith.mulf %sub3A_91, %sub3A_91 : vector<1x512xf32>
    %add3A_97 = arith.addf %mul3A_95, %mul3A_96 : vector<1x512xf32>
    %mul3A_98 = arith.mulf %sub3A_94, %sub3A_94 : vector<1x512xf32>
    %add3A_99 = arith.addf %add3A_97, %mul3A_98 : vector<1x512xf32>
    %max3A_100 = arith.constant 9.99999996E-13 : f32
    %max3A_101 = vector.broadcast %max3A_100 : f32 to vector<1x512xf32>
    %max3A_102 = arith.maximumf %add3A_99, %max3A_101 : vector<1x512xf32>
    %div3A_103 = arith.constant 1.000000e+00 : f32
    %div3A_104 = vector.broadcast %div3A_103 : f32 to vector<1x512xf32>
    %div3A_105 = arith.divf %div3A_104, %max3A_102 : vector<1x512xf32>
    %sub3A_106 = arith.subf %add3A_54, %add3A_69 : vector<1x512xf32>
    %eq3A = arith.constant 0.000000e+00 : f32
    %eq3A_107 = vector.broadcast %eq3A : f32 to vector<1x512xf32>
    %eq3A_108 = arith.cmpf oeq, %add3A_54, %eq3A_107 : vector<1x512xf32>
    %get3A_109 = arith.constant 0 : index
    %get3A_110 = arith.constant 0 : index
    %get3A_111 = arith.constant 0 : index
    %get3A_112 = vector.load %arg1[%get3A_109, %get3A_110, %get3A_111] : memref<1x2048x3xf32, #tpu.memory_space<vmem>>, vector<1x256x3xf32>
    %get3A_113 = vector.shape_cast %get3A_112 : vector<1x256x3xf32> to vector<256x3xf32>
    %slice3A = vector.extract_strided_slice %get3A_113 {offsets = [0, 0], sizes = [256, 1], strides = [1, 1]} : vector<256x3xf32> to vector<256x1xf32>
    %slice3A_114 = vector.extract_strided_slice %get3A_113 {offsets = [0, 1], sizes = [256, 1], strides = [1, 1]} : vector<256x3xf32> to vector<256x1xf32>
    %slice3A_115 = vector.extract_strided_slice %get3A_113 {offsets = [0, 2], sizes = [256, 1], strides = [1, 1]} : vector<256x3xf32> to vector<256x1xf32>
    %sub3A_116 = vector.broadcast %slice3A : vector<256x1xf32> to vector<256x512xf32>
    %sub3A_117 = vector.broadcast %get3A_3 : vector<1x512xf32> to vector<256x512xf32>
    %sub3A_118 = arith.subf %sub3A_116, %sub3A_117 : vector<256x512xf32>
    %sub3A_119 = vector.broadcast %slice3A_114 : vector<256x1xf32> to vector<256x512xf32>
    %sub3A_120 = vector.broadcast %get3A_8 : vector<1x512xf32> to vector<256x512xf32>
    %sub3A_121 = arith.subf %sub3A_119, %sub3A_120 : vector<256x512xf32>
    %sub3A_122 = vector.broadcast %slice3A_115 : vector<256x1xf32> to vector<256x512xf32>
    %sub3A_123 = vector.broadcast %get3A_13 : vector<1x512xf32> to vector<256x512xf32>
    %sub3A_124 = arith.subf %sub3A_122, %sub3A_123 : vector<256x512xf32>
    %mul3A_125 = vector.broadcast %sub3A : vector<1x512xf32> to vector<256x512xf32>
    %mul3A_126 = arith.mulf %sub3A_118, %mul3A_125 : vector<256x512xf32>
    %mul3A_127 = vector.broadcast %sub3A_44 : vector<1x512xf32> to vector<256x512xf32>
    %mul3A_128 = arith.mulf %sub3A_121, %mul3A_127 : vector<256x512xf32>
    %add3A_129 = arith.addf %mul3A_126, %mul3A_128 : vector<256x512xf32>
    %mul3A_130 = vector.broadcast %sub3A_45 : vector<1x512xf32> to vector<256x512xf32>
    %mul3A_131 = arith.mulf %sub3A_124, %mul3A_130 : vector<256x512xf32>
    %add3A_132 = arith.addf %add3A_129, %mul3A_131 : vector<256x512xf32>
    %mul3A_133 = vector.broadcast %sub3A_46 : vector<1x512xf32> to vector<256x512xf32>
    %mul3A_134 = arith.mulf %sub3A_118, %mul3A_133 : vector<256x512xf32>
    %mul3A_135 = vector.broadcast %sub3A_47 : vector<1x512xf32> to vector<256x512xf32>
    %mul3A_136 = arith.mulf %sub3A_121, %mul3A_135 : vector<256x512xf32>
    %add3A_137 = arith.addf %mul3A_134, %mul3A_136 : vector<256x512xf32>
    %mul3A_138 = vector.broadcast %sub3A_48 : vector<1x512xf32> to vector<256x512xf32>
    %mul3A_139 = arith.mulf %sub3A_124, %mul3A_138 : vector<256x512xf32>
    %add3A_140 = arith.addf %add3A_137, %mul3A_139 : vector<256x512xf32>
    %mul3A_141 = arith.mulf %sub3A_118, %sub3A_118 : vector<256x512xf32>
    %mul3A_142 = arith.mulf %sub3A_121, %sub3A_121 : vector<256x512xf32>
    %add3A_143 = arith.addf %mul3A_141, %mul3A_142 : vector<256x512xf32>
    %mul3A_144 = arith.mulf %sub3A_124, %sub3A_124 : vector<256x512xf32>
    %add3A_145 = arith.addf %add3A_143, %mul3A_144 : vector<256x512xf32>
    %add3A_146 = arith.addf %add3A_132, %add3A_132 : vector<256x512xf32>
    %sub3A_147 = arith.subf %add3A_145, %add3A_146 : vector<256x512xf32>
    %add3A_148 = vector.broadcast %add3A_54 : vector<1x512xf32> to vector<256x512xf32>
    %add3A_149 = arith.addf %sub3A_147, %add3A_148 : vector<256x512xf32>
    %sub3A_150 = arith.subf %add3A_140, %add3A_132 : vector<256x512xf32>
    %add3A_151 = vector.broadcast %sub3A_106 : vector<1x512xf32> to vector<256x512xf32>
    %add3A_152 = arith.addf %sub3A_150, %add3A_151 : vector<256x512xf32>
    %mul3A_153 = vector.broadcast %div3A_73 : vector<1x512xf32> to vector<256x512xf32>
    %mul3A_154 = arith.mulf %add3A_132, %mul3A_153 : vector<256x512xf32>
    %jit3A = arith.constant 0.000000e+00 : f32
    %jit3A_155 = arith.constant 1.000000e+00 : f32
    %max3A_156 = vector.broadcast %jit3A : f32 to vector<256x512xf32>
    %max3A_157 = arith.maximumf %max3A_156, %mul3A_154 : vector<256x512xf32>
    %min3A = vector.broadcast %jit3A_155 : f32 to vector<256x512xf32>
    %min3A_158 = arith.minimumf %min3A, %max3A_157 : vector<256x512xf32>
    %mul3A_159 = vector.broadcast %add3A_54 : vector<1x512xf32> to vector<256x512xf32>
    %mul3A_160 = arith.mulf %min3A_158, %mul3A_159 : vector<256x512xf32>
    %sub3A_161 = arith.subf %add3A_146, %mul3A_160 : vector<256x512xf32>
    %mul3A_162 = arith.mulf %min3A_158, %sub3A_161 : vector<256x512xf32>
    %sub3A_163 = arith.subf %add3A_145, %mul3A_162 : vector<256x512xf32>
    %add3A_164 = arith.addf %add3A_140, %add3A_140 : vector<256x512xf32>
    %mul3A_165 = vector.broadcast %div3A_79 : vector<1x512xf32> to vector<256x512xf32>
    %mul3A_166 = arith.mulf %add3A_140, %mul3A_165 : vector<256x512xf32>
    %jit3A_167 = arith.constant 0.000000e+00 : f32
    %jit3A_168 = arith.constant 1.000000e+00 : f32
    %max3A_169 = vector.broadcast %jit3A_167 : f32 to vector<256x512xf32>
    %max3A_170 = arith.maximumf %max3A_169, %mul3A_166 : vector<256x512xf32>
    %min3A_171 = vector.broadcast %jit3A_168 : f32 to vector<256x512xf32>
    %min3A_172 = arith.minimumf %min3A_171, %max3A_170 : vector<256x512xf32>
    %mul3A_173 = vector.broadcast %add3A_59 : vector<1x512xf32> to vector<256x512xf32>
    %mul3A_174 = arith.mulf %min3A_172, %mul3A_173 : vector<256x512xf32>
    %sub3A_175 = arith.subf %add3A_164, %mul3A_174 : vector<256x512xf32>
    %mul3A_176 = arith.mulf %min3A_172, %sub3A_175 : vector<256x512xf32>
    %sub3A_177 = arith.subf %add3A_145, %mul3A_176 : vector<256x512xf32>
    %add3A_178 = arith.addf %add3A_152, %add3A_152 : vector<256x512xf32>
    %mul3A_179 = vector.broadcast %div3A_85 : vector<1x512xf32> to vector<256x512xf32>
    %mul3A_180 = arith.mulf %add3A_152, %mul3A_179 : vector<256x512xf32>
    %jit3A_181 = arith.constant 0.000000e+00 : f32
    %jit3A_182 = arith.constant 1.000000e+00 : f32
    %max3A_183 = vector.broadcast %jit3A_181 : f32 to vector<256x512xf32>
    %max3A_184 = arith.maximumf %max3A_183, %mul3A_180 : vector<256x512xf32>
    %min3A_185 = vector.broadcast %jit3A_182 : f32 to vector<256x512xf32>
    %min3A_186 = arith.minimumf %min3A_185, %max3A_184 : vector<256x512xf32>
    %mul3A_187 = vector.broadcast %add3A_64 : vector<1x512xf32> to vector<256x512xf32>
    %mul3A_188 = arith.mulf %min3A_186, %mul3A_187 : vector<256x512xf32>
    %sub3A_189 = arith.subf %add3A_178, %mul3A_188 : vector<256x512xf32>
    %mul3A_190 = arith.mulf %min3A_186, %sub3A_189 : vector<256x512xf32>
    %sub3A_191 = arith.subf %add3A_149, %mul3A_190 : vector<256x512xf32>
    %mul3A_192 = vector.broadcast %add3A_59 : vector<1x512xf32> to vector<256x512xf32>
    %mul3A_193 = arith.mulf %mul3A_192, %add3A_132 : vector<256x512xf32>
    %mul3A_194 = vector.broadcast %add3A_69 : vector<1x512xf32> to vector<256x512xf32>
    %mul3A_195 = arith.mulf %mul3A_194, %add3A_140 : vector<256x512xf32>
    %sub3A_196 = arith.subf %mul3A_193, %mul3A_195 : vector<256x512xf32>
    %mul3A_197 = vector.broadcast %add3A_54 : vector<1x512xf32> to vector<256x512xf32>
    %mul3A_198 = arith.mulf %mul3A_197, %add3A_140 : vector<256x512xf32>
    %mul3A_199 = vector.broadcast %add3A_69 : vector<1x512xf32> to vector<256x512xf32>
    %mul3A_200 = arith.mulf %mul3A_199, %add3A_132 : vector<256x512xf32>
    %sub3A_201 = arith.subf %mul3A_198, %mul3A_200 : vector<256x512xf32>
    %add3A_202 = arith.addf %sub3A_196, %sub3A_201 : vector<256x512xf32>
    %min3A_203 = arith.minimumf %sub3A_196, %sub3A_201 : vector<256x512xf32>
    %sub3A_204 = vector.broadcast %add3A_99 : vector<1x512xf32> to vector<256x512xf32>
    %sub3A_205 = arith.subf %sub3A_204, %add3A_202 : vector<256x512xf32>
    %min3A_206 = arith.minimumf %min3A_203, %sub3A_205 : vector<256x512xf32>
    %mul3A_207 = vector.broadcast %sub3A_88 : vector<1x512xf32> to vector<256x512xf32>
    %mul3A_208 = arith.mulf %sub3A_118, %mul3A_207 : vector<256x512xf32>
    %mul3A_209 = vector.broadcast %sub3A_91 : vector<1x512xf32> to vector<256x512xf32>
    %mul3A_210 = arith.mulf %sub3A_121, %mul3A_209 : vector<256x512xf32>
    %add3A_211 = arith.addf %mul3A_208, %mul3A_210 : vector<256x512xf32>
    %mul3A_212 = vector.broadcast %sub3A_94 : vector<1x512xf32> to vector<256x512xf32>
    %mul3A_213 = arith.mulf %sub3A_124, %mul3A_212 : vector<256x512xf32>
    %add3A_214 = arith.addf %add3A_211, %mul3A_213 : vector<256x512xf32>
    %mul3A_215 = arith.mulf %add3A_214, %add3A_214 : vector<256x512xf32>
    %mul3A_216 = vector.broadcast %div3A_105 : vector<1x512xf32> to vector<256x512xf32>
    %mul3A_217 = arith.mulf %mul3A_215, %mul3A_216 : vector<256x512xf32>
    %min3A_218 = arith.minimumf %sub3A_163, %sub3A_177 : vector<256x512xf32>
    %min3A_219 = arith.minimumf %min3A_218, %sub3A_191 : vector<256x512xf32>
    %gt3A = arith.constant 0.000000e+00 : f32
    %gt3A_220 = vector.broadcast %gt3A : f32 to vector<256x512xf32>
    %gt3A_221 = arith.cmpf ogt, %min3A_206, %gt3A_220 : vector<256x512xf32>
    %select_n3A = arith.select %gt3A_221, %mul3A_217, %min3A_219 : vector<256x512xi1>, vector<256x512xf32>
    %min3A_222 = arith.minimumf %select_n3A, %min3A_219 : vector<256x512xf32>
    %sub3A_223 = vector.broadcast %add3A_59 : vector<1x512xf32> to vector<256x512xf32>
    %sub3A_224 = arith.subf %add3A_140, %sub3A_223 : vector<256x512xf32>
    %ge3A = arith.constant 0.000000e+00 : f32
    %ge3A_225 = vector.broadcast %ge3A : f32 to vector<256x512xf32>
    %ge3A_226 = arith.cmpf oge, %sub3A_224, %ge3A_225 : vector<256x512xf32>
    %select_n3A_227 = arith.select %ge3A_226, %sub3A_177, %add3A_145 : vector<256x512xi1>, vector<256x512xf32>
    %broadcast_in_dim3A = vector.shape_cast %eq3A_108 : vector<1x512xi1> to vector<1x512xi1>
    %broadcast_in_dim3A_228 = vector.broadcast %broadcast_in_dim3A : vector<1x512xi1> to vector<256x512xi1>
    %select_n3A_229 = arith.select %broadcast_in_dim3A_228, %select_n3A_227, %min3A_222 : vector<256x512xi1>, vector<256x512xf32>
    %reduce_min3A = arith.constant dense<0x7F800000> : vector<256xf32>
    %reduce_min3A_230 = vector.multi_reduction <minimumf>, %select_n3A_229, %reduce_min3A [1] : vector<256x512xf32> to vector<256xf32>
    %broadcast_in_dim3A_231 = vector.shape_cast %reduce_min3A_230 : vector<256xf32> to vector<256x1xf32>
    %max3A_232 = arith.constant 0.000000e+00 : f32
    %max3A_233 = vector.broadcast %max3A_232 : f32 to vector<256x1xf32>
    %max3A_234 = arith.maximumf %broadcast_in_dim3A_231, %max3A_233 : vector<256x1xf32>
    %mul3A_235 = arith.constant -1.000000e+02 : f32
    %mul3A_236 = vector.broadcast %mul3A_235 : f32 to vector<256x1xf32>
    %mul3A_237 = arith.mulf %mul3A_236, %max3A_234 : vector<256x1xf32>
    %exp3A = math.exp %mul3A_237 : vector<256x1xf32>
    %swap3A = arith.constant 0 : index
    %swap3A_238 = arith.constant 0 : index
    %swap3A_239 = arith.constant 0 : index
    %swap3A_240 = vector.load %arg3[%swap3A, %swap3A_238, %swap3A_239] : memref<1x2048x1xf32, #tpu.memory_space<vmem>>, vector<1x256x1xf32>
    %swap3A_241 = vector.shape_cast %swap3A_240 : vector<1x256x1xf32> to vector<256x1xf32>
    %swap3A_242 = vector.shape_cast %exp3A : vector<256x1xf32> to vector<1x256x1xf32>
    tpu.vector_store %arg3[%swap3A, %swap3A_238, %swap3A_239], %swap3A_242 {strides = array<i32>} : memref<1x2048x1xf32, #tpu.memory_space<vmem>>, vector<1x256x1xf32>,
    %get3A_243 = arith.constant 0 : index
    %get3A_244 = arith.constant 256 : index
    %get3A_245 = arith.constant 0 : index
    %get3A_246 = vector.load %arg1[%get3A_243, %get3A_244, %get3A_245] : memref<1x2048x3xf32, #tpu.memory_space<vmem>>, vector<1x256x3xf32>
    %get3A_247 = vector.shape_cast %get3A_246 : vector<1x256x3xf32> to vector<256x3xf32>
    %slice3A_248 = vector.extract_strided_slice %get3A_247 {offsets = [0, 0], sizes = [256, 1], strides = [1, 1]} : vector<256x3xf32> to vector<256x1xf32>
    %slice3A_249 = vector.extract_strided_slice %get3A_247 {offsets = [0, 1], sizes = [256, 1], strides = [1, 1]} : vector<256x3xf32> to vector<256x1xf32>
    %slice3A_250 = vector.extract_strided_slice %get3A_247 {offsets = [0, 2], sizes = [256, 1], strides = [1, 1]} : vector<256x3xf32> to vector<256x1xf32>
    %sub3A_251 = vector.broadcast %slice3A_248 : vector<256x1xf32> to vector<256x512xf32>
    %sub3A_252 = vector.broadcast %get3A_3 : vector<1x512xf32> to vector<256x512xf32>
    %sub3A_253 = arith.subf %sub3A_251, %sub3A_252 : vector<256x512xf32>
    %sub3A_254 = vector.broadcast %slice3A_249 : vector<256x1xf32> to vector<256x512xf32>
    %sub3A_255 = vector.broadcast %get3A_8 : vector<1x512xf32> to vector<256x512xf32>
    %sub3A_256 = arith.subf %sub3A_254, %sub3A_255 : vector<256x512xf32>
    %sub3A_257 = vector.broadcast %slice3A_250 : vector<256x1xf32> to vector<256x512xf32>
    %sub3A_258 = vector.broadcast %get3A_13 : vector<1x512xf32> to vector<256x512xf32>
    %sub3A_259 = arith.subf %sub3A_257, %sub3A_258 : vector<256x512xf32>
    %mul3A_260 = vector.broadcast %sub3A : vector<1x512xf32> to vector<256x512xf32>
    %mul3A_261 = arith.mulf %sub3A_253, %mul3A_260 : vector<256x512xf32>
    %mul3A_262 = vector.broadcast %sub3A_44 : vector<1x512xf32> to vector<256x512xf32>
    %mul3A_263 = arith.mulf %sub3A_256, %mul3A_262 : vector<256x512xf32>
    %add3A_264 = arith.addf %mul3A_261, %mul3A_263 : vector<256x512xf32>
    %mul3A_265 = vector.broadcast %sub3A_45 : vector<1x512xf32> to vector<256x512xf32>
    %mul3A_266 = arith.mulf %sub3A_259, %mul3A_265 : vector<256x512xf32>
    %add3A_267 = arith.addf %add3A_264, %mul3A_266 : vector<256x512xf32>
    %mul3A_268 = vector.broadcast %sub3A_46 : vector<1x512xf32> to vector<256x512xf32>
    %mul3A_269 = arith.mulf %sub3A_253, %mul3A_268 : vector<256x512xf32>
    %mul3A_270 = vector.broadcast %sub3A_47 : vector<1x512xf32> to vector<256x512xf32>
    %mul3A_271 = arith.mulf %sub3A_256, %mul3A_270 : vector<256x512xf32>
    %add3A_272 = arith.addf %mul3A_269, %mul3A_271 : vector<256x512xf32>
    %mul3A_273 = vector.broadcast %sub3A_48 : vector<1x512xf32> to vector<256x512xf32>
    %mul3A_274 = arith.mulf %sub3A_259, %mul3A_273 : vector<256x512xf32>
    %add3A_275 = arith.addf %add3A_272, %mul3A_274 : vector<256x512xf32>
    %mul3A_276 = arith.mulf %sub3A_253, %sub3A_253 : vector<256x512xf32>
    %mul3A_277 = arith.mulf %sub3A_256, %sub3A_256 : vector<256x512xf32>
    %add3A_278 = arith.addf %mul3A_276, %mul3A_277 : vector<256x512xf32>
    %mul3A_279 = arith.mulf %sub3A_259, %sub3A_259 : vector<256x512xf32>
    %add3A_280 = arith.addf %add3A_278, %mul3A_279 : vector<256x512xf32>
    %add3A_281 = arith.addf %add3A_267, %add3A_267 : vector<256x512xf32>
    %sub3A_282 = arith.subf %add3A_280, %add3A_281 : vector<256x512xf32>
    %add3A_283 = vector.broadcast %add3A_54 : vector<1x512xf32> to vector<256x512xf32>
    %add3A_284 = arith.addf %sub3A_282, %add3A_283 : vector<256x512xf32>
    %sub3A_285 = arith.subf %add3A_275, %add3A_267 : vector<256x512xf32>
    %add3A_286 = vector.broadcast %sub3A_106 : vector<1x512xf32> to vector<256x512xf32>
    %add3A_287 = arith.addf %sub3A_285, %add3A_286 : vector<256x512xf32>
    %mul3A_288 = vector.broadcast %div3A_73 : vector<1x512xf32> to vector<256x512xf32>
    %mul3A_289 = arith.mulf %add3A_267, %mul3A_288 : vector<256x512xf32>
    %jit3A_290 = arith.constant 0.000000e+00 : f32
    %jit3A_291 = arith.constant 1.000000e+00 : f32
    %max3A_292 = vector.broadcast %jit3A_290 : f32 to vector<256x512xf32>
    %max3A_293 = arith.maximumf %max3A_292, %mul3A_289 : vector<256x512xf32>
    %min3A_294 = vector.broadcast %jit3A_291 : f32 to vector<256x512xf32>
    %min3A_295 = arith.minimumf %min3A_294, %max3A_293 : vector<256x512xf32>
    %mul3A_296 = vector.broadcast %add3A_54 : vector<1x512xf32> to vector<256x512xf32>
    %mul3A_297 = arith.mulf %min3A_295, %mul3A_296 : vector<256x512xf32>
    %sub3A_298 = arith.subf %add3A_281, %mul3A_297 : vector<256x512xf32>
    %mul3A_299 = arith.mulf %min3A_295, %sub3A_298 : vector<256x512xf32>
    %sub3A_300 = arith.subf %add3A_280, %mul3A_299 : vector<256x512xf32>
    %add3A_301 = arith.addf %add3A_275, %add3A_275 : vector<256x512xf32>
    %mul3A_302 = vector.broadcast %div3A_79 : vector<1x512xf32> to vector<256x512xf32>
    %mul3A_303 = arith.mulf %add3A_275, %mul3A_302 : vector<256x512xf32>
    %jit3A_304 = arith.constant 0.000000e+00 : f32
    %jit3A_305 = arith.constant 1.000000e+00 : f32
    %max3A_306 = vector.broadcast %jit3A_304 : f32 to vector<256x512xf32>
    %max3A_307 = arith.maximumf %max3A_306, %mul3A_303 : vector<256x512xf32>
    %min3A_308 = vector.broadcast %jit3A_305 : f32 to vector<256x512xf32>
    %min3A_309 = arith.minimumf %min3A_308, %max3A_307 : vector<256x512xf32>
    %mul3A_310 = vector.broadcast %add3A_59 : vector<1x512xf32> to vector<256x512xf32>
    %mul3A_311 = arith.mulf %min3A_309, %mul3A_310 : vector<256x512xf32>
    %sub3A_312 = arith.subf %add3A_301, %mul3A_311 : vector<256x512xf32>
    %mul3A_313 = arith.mulf %min3A_309, %sub3A_312 : vector<256x512xf32>
    %sub3A_314 = arith.subf %add3A_280, %mul3A_313 : vector<256x512xf32>
    %add3A_315 = arith.addf %add3A_287, %add3A_287 : vector<256x512xf32>
    %mul3A_316 = vector.broadcast %div3A_85 : vector<1x512xf32> to vector<256x512xf32>
    %mul3A_317 = arith.mulf %add3A_287, %mul3A_316 : vector<256x512xf32>
    %jit3A_318 = arith.constant 0.000000e+00 : f32
    %jit3A_319 = arith.constant 1.000000e+00 : f32
    %max3A_320 = vector.broadcast %jit3A_318 : f32 to vector<256x512xf32>
    %max3A_321 = arith.maximumf %max3A_320, %mul3A_317 : vector<256x512xf32>
    %min3A_322 = vector.broadcast %jit3A_319 : f32 to vector<256x512xf32>
    %min3A_323 = arith.minimumf %min3A_322, %max3A_321 : vector<256x512xf32>
    %mul3A_324 = vector.broadcast %add3A_64 : vector<1x512xf32> to vector<256x512xf32>
    %mul3A_325 = arith.mulf %min3A_323, %mul3A_324 : vector<256x512xf32>
    %sub3A_326 = arith.subf %add3A_315, %mul3A_325 : vector<256x512xf32>
    %mul3A_327 = arith.mulf %min3A_323, %sub3A_326 : vector<256x512xf32>
    %sub3A_328 = arith.subf %add3A_284, %mul3A_327 : vector<256x512xf32>
    %mul3A_329 = vector.broadcast %add3A_59 : vector<1x512xf32> to vector<256x512xf32>
    %mul3A_330 = arith.mulf %mul3A_329, %add3A_267 : vector<256x512xf32>
    %mul3A_331 = vector.broadcast %add3A_69 : vector<1x512xf32> to vector<256x512xf32>
    %mul3A_332 = arith.mulf %mul3A_331, %add3A_275 : vector<256x512xf32>
    %sub3A_333 = arith.subf %mul3A_330, %mul3A_332 : vector<256x512xf32>
    %mul3A_334 = vector.broadcast %add3A_54 : vector<1x512xf32> to vector<256x512xf32>
    %mul3A_335 = arith.mulf %mul3A_334, %add3A_275 : vector<256x512xf32>
    %mul3A_336 = vector.broadcast %add3A_69 : vector<1x512xf32> to vector<256x512xf32>
    %mul3A_337 = arith.mulf %mul3A_336, %add3A_267 : vector<256x512xf32>
    %sub3A_338 = arith.subf %mul3A_335, %mul3A_337 : vector<256x512xf32>
    %add3A_339 = arith.addf %sub3A_333, %sub3A_338 : vector<256x512xf32>
    %min3A_340 = arith.minimumf %sub3A_333, %sub3A_338 : vector<256x512xf32>
    %sub3A_341 = vector.broadcast %add3A_99 : vector<1x512xf32> to vector<256x512xf32>
    %sub3A_342 = arith.subf %sub3A_341, %add3A_339 : vector<256x512xf32>
    %min3A_343 = arith.minimumf %min3A_340, %sub3A_342 : vector<256x512xf32>
    %mul3A_344 = vector.broadcast %sub3A_88 : vector<1x512xf32> to vector<256x512xf32>
    %mul3A_345 = arith.mulf %sub3A_253, %mul3A_344 : vector<256x512xf32>
    %mul3A_346 = vector.broadcast %sub3A_91 : vector<1x512xf32> to vector<256x512xf32>
    %mul3A_347 = arith.mulf %sub3A_256, %mul3A_346 : vector<256x512xf32>
    %add3A_348 = arith.addf %mul3A_345, %mul3A_347 : vector<256x512xf32>
    %mul3A_349 = vector.broadcast %sub3A_94 : vector<1x512xf32> to vector<256x512xf32>
    %mul3A_350 = arith.mulf %sub3A_259, %mul3A_349 : vector<256x512xf32>
    %add3A_351 = arith.addf %add3A_348, %mul3A_350 : vector<256x512xf32>
    %mul3A_352 = arith.mulf %add3A_351, %add3A_351 : vector<256x512xf32>
    %mul3A_353 = vector.broadcast %div3A_105 : vector<1x512xf32> to vector<256x512xf32>
    %mul3A_354 = arith.mulf %mul3A_352, %mul3A_353 : vector<256x512xf32>
    %min3A_355 = arith.minimumf %sub3A_300, %sub3A_314 : vector<256x512xf32>
    %min3A_356 = arith.minimumf %min3A_355, %sub3A_328 : vector<256x512xf32>
    %gt3A_357 = arith.constant 0.000000e+00 : f32
    %gt3A_358 = vector.broadcast %gt3A_357 : f32 to vector<256x512xf32>
    %gt3A_359 = arith.cmpf ogt, %min3A_343, %gt3A_358 : vector<256x512xf32>
    %select_n3A_360 = arith.select %gt3A_359, %mul3A_354, %min3A_356 : vector<256x512xi1>, vector<256x512xf32>
    %min3A_361 = arith.minimumf %select_n3A_360, %min3A_356 : vector<256x512xf32>
    %sub3A_362 = vector.broadcast %add3A_59 : vector<1x512xf32> to vector<256x512xf32>
    %sub3A_363 = arith.subf %add3A_275, %sub3A_362 : vector<256x512xf32>
    %ge3A_364 = arith.constant 0.000000e+00 : f32
    %ge3A_365 = vector.broadcast %ge3A_364 : f32 to vector<256x512xf32>
    %ge3A_366 = arith.cmpf oge, %sub3A_363, %ge3A_365 : vector<256x512xf32>
    %select_n3A_367 = arith.select %ge3A_366, %sub3A_314, %add3A_280 : vector<256x512xi1>, vector<256x512xf32>
    %broadcast_in_dim3A_368 = vector.shape_cast %eq3A_108 : vector<1x512xi1> to vector<1x512xi1>
    %broadcast_in_dim3A_369 = vector.broadcast %broadcast_in_dim3A_368 : vector<1x512xi1> to vector<256x512xi1>
    %select_n3A_370 = arith.select %broadcast_in_dim3A_369, %select_n3A_367, %min3A_361 : vector<256x512xi1>, vector<256x512xf32>
    %reduce_min3A_371 = arith.constant dense<0x7F800000> : vector<256xf32>
    %reduce_min3A_372 = vector.multi_reduction <minimumf>, %select_n3A_370, %reduce_min3A_371 [1] : vector<256x512xf32> to vector<256xf32>
    %broadcast_in_dim3A_373 = vector.shape_cast %reduce_min3A_372 : vector<256xf32> to vector<256x1xf32>
    %max3A_374 = arith.constant 0.000000e+00 : f32
    %max3A_375 = vector.broadcast %max3A_374 : f32 to vector<256x1xf32>
    %max3A_376 = arith.maximumf %broadcast_in_dim3A_373, %max3A_375 : vector<256x1xf32>
    %mul3A_377 = arith.constant -1.000000e+02 : f32
    %mul3A_378 = vector.broadcast %mul3A_377 : f32 to vector<256x1xf32>
    %mul3A_379 = arith.mulf %mul3A_378, %max3A_376 : vector<256x1xf32>
    %exp3A_380 = math.exp %mul3A_379 : vector<256x1xf32>
    %swap3A_381 = arith.constant 0 : index
    %swap3A_382 = arith.constant 256 : index
    %swap3A_383 = arith.constant 0 : index
    %swap3A_384 = vector.load %arg3[%swap3A_381, %swap3A_382, %swap3A_383] : memref<1x2048x1xf32, #tpu.memory_space<vmem>>, vector<1x256x1xf32>
    %swap3A_385 = vector.shape_cast %swap3A_384 : vector<1x256x1xf32> to vector<256x1xf32>
    %swap3A_386 = vector.shape_cast %exp3A_380 : vector<256x1xf32> to vector<1x256x1xf32>
    tpu.vector_store %arg3[%swap3A_381, %swap3A_382, %swap3A_383], %swap3A_386 {strides = array<i32>} : memref<1x2048x1xf32, #tpu.memory_space<vmem>>, vector<1x256x1xf32>,
    %get3A_387 = arith.constant 0 : index
    %get3A_388 = arith.constant 512 : index
    %get3A_389 = arith.constant 0 : index
    %get3A_390 = vector.load %arg1[%get3A_387, %get3A_388, %get3A_389] : memref<1x2048x3xf32, #tpu.memory_space<vmem>>, vector<1x256x3xf32>
    %get3A_391 = vector.shape_cast %get3A_390 : vector<1x256x3xf32> to vector<256x3xf32>
    %slice3A_392 = vector.extract_strided_slice %get3A_391 {offsets = [0, 0], sizes = [256, 1], strides = [1, 1]} : vector<256x3xf32> to vector<256x1xf32>
    %slice3A_393 = vector.extract_strided_slice %get3A_391 {offsets = [0, 1], sizes = [256, 1], strides = [1, 1]} : vector<256x3xf32> to vector<256x1xf32>
    %slice3A_394 = vector.extract_strided_slice %get3A_391 {offsets = [0, 2], sizes = [256, 1], strides = [1, 1]} : vector<256x3xf32> to vector<256x1xf32>
    %sub3A_395 = vector.broadcast %slice3A_392 : vector<256x1xf32> to vector<256x512xf32>
    %sub3A_396 = vector.broadcast %get3A_3 : vector<1x512xf32> to vector<256x512xf32>
    %sub3A_397 = arith.subf %sub3A_395, %sub3A_396 : vector<256x512xf32>
    %sub3A_398 = vector.broadcast %slice3A_393 : vector<256x1xf32> to vector<256x512xf32>
    %sub3A_399 = vector.broadcast %get3A_8 : vector<1x512xf32> to vector<256x512xf32>
    %sub3A_400 = arith.subf %sub3A_398, %sub3A_399 : vector<256x512xf32>
    %sub3A_401 = vector.broadcast %slice3A_394 : vector<256x1xf32> to vector<256x512xf32>
    %sub3A_402 = vector.broadcast %get3A_13 : vector<1x512xf32> to vector<256x512xf32>
    %sub3A_403 = arith.subf %sub3A_401, %sub3A_402 : vector<256x512xf32>
    %mul3A_404 = vector.broadcast %sub3A : vector<1x512xf32> to vector<256x512xf32>
    %mul3A_405 = arith.mulf %sub3A_397, %mul3A_404 : vector<256x512xf32>
    %mul3A_406 = vector.broadcast %sub3A_44 : vector<1x512xf32> to vector<256x512xf32>
    %mul3A_407 = arith.mulf %sub3A_400, %mul3A_406 : vector<256x512xf32>
    %add3A_408 = arith.addf %mul3A_405, %mul3A_407 : vector<256x512xf32>
    %mul3A_409 = vector.broadcast %sub3A_45 : vector<1x512xf32> to vector<256x512xf32>
    %mul3A_410 = arith.mulf %sub3A_403, %mul3A_409 : vector<256x512xf32>
    %add3A_411 = arith.addf %add3A_408, %mul3A_410 : vector<256x512xf32>
    %mul3A_412 = vector.broadcast %sub3A_46 : vector<1x512xf32> to vector<256x512xf32>
    %mul3A_413 = arith.mulf %sub3A_397, %mul3A_412 : vector<256x512xf32>
    %mul3A_414 = vector.broadcast %sub3A_47 : vector<1x512xf32> to vector<256x512xf32>
    %mul3A_415 = arith.mulf %sub3A_400, %mul3A_414 : vector<256x512xf32>
    %add3A_416 = arith.addf %mul3A_413, %mul3A_415 : vector<256x512xf32>
    %mul3A_417 = vector.broadcast %sub3A_48 : vector<1x512xf32> to vector<256x512xf32>
    %mul3A_418 = arith.mulf %sub3A_403, %mul3A_417 : vector<256x512xf32>
    %add3A_419 = arith.addf %add3A_416, %mul3A_418 : vector<256x512xf32>
    %mul3A_420 = arith.mulf %sub3A_397, %sub3A_397 : vector<256x512xf32>
    %mul3A_421 = arith.mulf %sub3A_400, %sub3A_400 : vector<256x512xf32>
    %add3A_422 = arith.addf %mul3A_420, %mul3A_421 : vector<256x512xf32>
    %mul3A_423 = arith.mulf %sub3A_403, %sub3A_403 : vector<256x512xf32>
    %add3A_424 = arith.addf %add3A_422, %mul3A_423 : vector<256x512xf32>
    %add3A_425 = arith.addf %add3A_411, %add3A_411 : vector<256x512xf32>
    %sub3A_426 = arith.subf %add3A_424, %add3A_425 : vector<256x512xf32>
    %add3A_427 = vector.broadcast %add3A_54 : vector<1x512xf32> to vector<256x512xf32>
    %add3A_428 = arith.addf %sub3A_426, %add3A_427 : vector<256x512xf32>
    %sub3A_429 = arith.subf %add3A_419, %add3A_411 : vector<256x512xf32>
    %add3A_430 = vector.broadcast %sub3A_106 : vector<1x512xf32> to vector<256x512xf32>
    %add3A_431 = arith.addf %sub3A_429, %add3A_430 : vector<256x512xf32>
    %mul3A_432 = vector.broadcast %div3A_73 : vector<1x512xf32> to vector<256x512xf32>
    %mul3A_433 = arith.mulf %add3A_411, %mul3A_432 : vector<256x512xf32>
    %jit3A_434 = arith.constant 0.000000e+00 : f32
    %jit3A_435 = arith.constant 1.000000e+00 : f32
    %max3A_436 = vector.broadcast %jit3A_434 : f32 to vector<256x512xf32>
    %max3A_437 = arith.maximumf %max3A_436, %mul3A_433 : vector<256x512xf32>
    %min3A_438 = vector.broadcast %jit3A_435 : f32 to vector<256x512xf32>
    %min3A_439 = arith.minimumf %min3A_438, %max3A_437 : vector<256x512xf32>
    %mul3A_440 = vector.broadcast %add3A_54 : vector<1x512xf32> to vector<256x512xf32>
    %mul3A_441 = arith.mulf %min3A_439, %mul3A_440 : vector<256x512xf32>
    %sub3A_442 = arith.subf %add3A_425, %mul3A_441 : vector<256x512xf32>
    %mul3A_443 = arith.mulf %min3A_439, %sub3A_442 : vector<256x512xf32>
    %sub3A_444 = arith.subf %add3A_424, %mul3A_443 : vector<256x512xf32>
    %add3A_445 = arith.addf %add3A_419, %add3A_419 : vector<256x512xf32>
    %mul3A_446 = vector.broadcast %div3A_79 : vector<1x512xf32> to vector<256x512xf32>
    %mul3A_447 = arith.mulf %add3A_419, %mul3A_446 : vector<256x512xf32>
    %jit3A_448 = arith.constant 0.000000e+00 : f32
    %jit3A_449 = arith.constant 1.000000e+00 : f32
    %max3A_450 = vector.broadcast %jit3A_448 : f32 to vector<256x512xf32>
    %max3A_451 = arith.maximumf %max3A_450, %mul3A_447 : vector<256x512xf32>
    %min3A_452 = vector.broadcast %jit3A_449 : f32 to vector<256x512xf32>
    %min3A_453 = arith.minimumf %min3A_452, %max3A_451 : vector<256x512xf32>
    %mul3A_454 = vector.broadcast %add3A_59 : vector<1x512xf32> to vector<256x512xf32>
    %mul3A_455 = arith.mulf %min3A_453, %mul3A_454 : vector<256x512xf32>
    %sub3A_456 = arith.subf %add3A_445, %mul3A_455 : vector<256x512xf32>
    %mul3A_457 = arith.mulf %min3A_453, %sub3A_456 : vector<256x512xf32>
    %sub3A_458 = arith.subf %add3A_424, %mul3A_457 : vector<256x512xf32>
    %add3A_459 = arith.addf %add3A_431, %add3A_431 : vector<256x512xf32>
    %mul3A_460 = vector.broadcast %div3A_85 : vector<1x512xf32> to vector<256x512xf32>
    %mul3A_461 = arith.mulf %add3A_431, %mul3A_460 : vector<256x512xf32>
    %jit3A_462 = arith.constant 0.000000e+00 : f32
    %jit3A_463 = arith.constant 1.000000e+00 : f32
    %max3A_464 = vector.broadcast %jit3A_462 : f32 to vector<256x512xf32>
    %max3A_465 = arith.maximumf %max3A_464, %mul3A_461 : vector<256x512xf32>
    %min3A_466 = vector.broadcast %jit3A_463 : f32 to vector<256x512xf32>
    %min3A_467 = arith.minimumf %min3A_466, %max3A_465 : vector<256x512xf32>
    %mul3A_468 = vector.broadcast %add3A_64 : vector<1x512xf32> to vector<256x512xf32>
    %mul3A_469 = arith.mulf %min3A_467, %mul3A_468 : vector<256x512xf32>
    %sub3A_470 = arith.subf %add3A_459, %mul3A_469 : vector<256x512xf32>
    %mul3A_471 = arith.mulf %min3A_467, %sub3A_470 : vector<256x512xf32>
    %sub3A_472 = arith.subf %add3A_428, %mul3A_471 : vector<256x512xf32>
    %mul3A_473 = vector.broadcast %add3A_59 : vector<1x512xf32> to vector<256x512xf32>
    %mul3A_474 = arith.mulf %mul3A_473, %add3A_411 : vector<256x512xf32>
    %mul3A_475 = vector.broadcast %add3A_69 : vector<1x512xf32> to vector<256x512xf32>
    %mul3A_476 = arith.mulf %mul3A_475, %add3A_419 : vector<256x512xf32>
    %sub3A_477 = arith.subf %mul3A_474, %mul3A_476 : vector<256x512xf32>
    %mul3A_478 = vector.broadcast %add3A_54 : vector<1x512xf32> to vector<256x512xf32>
    %mul3A_479 = arith.mulf %mul3A_478, %add3A_419 : vector<256x512xf32>
    %mul3A_480 = vector.broadcast %add3A_69 : vector<1x512xf32> to vector<256x512xf32>
    %mul3A_481 = arith.mulf %mul3A_480, %add3A_411 : vector<256x512xf32>
    %sub3A_482 = arith.subf %mul3A_479, %mul3A_481 : vector<256x512xf32>
    %add3A_483 = arith.addf %sub3A_477, %sub3A_482 : vector<256x512xf32>
    %min3A_484 = arith.minimumf %sub3A_477, %sub3A_482 : vector<256x512xf32>
    %sub3A_485 = vector.broadcast %add3A_99 : vector<1x512xf32> to vector<256x512xf32>
    %sub3A_486 = arith.subf %sub3A_485, %add3A_483 : vector<256x512xf32>
    %min3A_487 = arith.minimumf %min3A_484, %sub3A_486 : vector<256x512xf32>
    %mul3A_488 = vector.broadcast %sub3A_88 : vector<1x512xf32> to vector<256x512xf32>
    %mul3A_489 = arith.mulf %sub3A_397, %mul3A_488 : vector<256x512xf32>
    %mul3A_490 = vector.broadcast %sub3A_91 : vector<1x512xf32> to vector<256x512xf32>
    %mul3A_491 = arith.mulf %sub3A_400, %mul3A_490 : vector<256x512xf32>
    %add3A_492 = arith.addf %mul3A_489, %mul3A_491 : vector<256x512xf32>
    %mul3A_493 = vector.broadcast %sub3A_94 : vector<1x512xf32> to vector<256x512xf32>
    %mul3A_494 = arith.mulf %sub3A_403, %mul3A_493 : vector<256x512xf32>
    %add3A_495 = arith.addf %add3A_492, %mul3A_494 : vector<256x512xf32>
    %mul3A_496 = arith.mulf %add3A_495, %add3A_495 : vector<256x512xf32>
    %mul3A_497 = vector.broadcast %div3A_105 : vector<1x512xf32> to vector<256x512xf32>
    %mul3A_498 = arith.mulf %mul3A_496, %mul3A_497 : vector<256x512xf32>
    %min3A_499 = arith.minimumf %sub3A_444, %sub3A_458 : vector<256x512xf32>
    %min3A_500 = arith.minimumf %min3A_499, %sub3A_472 : vector<256x512xf32>
    %gt3A_501 = arith.constant 0.000000e+00 : f32
    %gt3A_502 = vector.broadcast %gt3A_501 : f32 to vector<256x512xf32>
    %gt3A_503 = arith.cmpf ogt, %min3A_487, %gt3A_502 : vector<256x512xf32>
    %select_n3A_504 = arith.select %gt3A_503, %mul3A_498, %min3A_500 : vector<256x512xi1>, vector<256x512xf32>
    %min3A_505 = arith.minimumf %select_n3A_504, %min3A_500 : vector<256x512xf32>
    %sub3A_506 = vector.broadcast %add3A_59 : vector<1x512xf32> to vector<256x512xf32>
    %sub3A_507 = arith.subf %add3A_419, %sub3A_506 : vector<256x512xf32>
    %ge3A_508 = arith.constant 0.000000e+00 : f32
    %ge3A_509 = vector.broadcast %ge3A_508 : f32 to vector<256x512xf32>
    %ge3A_510 = arith.cmpf oge, %sub3A_507, %ge3A_509 : vector<256x512xf32>
    %select_n3A_511 = arith.select %ge3A_510, %sub3A_458, %add3A_424 : vector<256x512xi1>, vector<256x512xf32>
    %broadcast_in_dim3A_512 = vector.shape_cast %eq3A_108 : vector<1x512xi1> to vector<1x512xi1>
    %broadcast_in_dim3A_513 = vector.broadcast %broadcast_in_dim3A_512 : vector<1x512xi1> to vector<256x512xi1>
    %select_n3A_514 = arith.select %broadcast_in_dim3A_513, %select_n3A_511, %min3A_505 : vector<256x512xi1>, vector<256x512xf32>
    %reduce_min3A_515 = arith.constant dense<0x7F800000> : vector<256xf32>
    %reduce_min3A_516 = vector.multi_reduction <minimumf>, %select_n3A_514, %reduce_min3A_515 [1] : vector<256x512xf32> to vector<256xf32>
    %broadcast_in_dim3A_517 = vector.shape_cast %reduce_min3A_516 : vector<256xf32> to vector<256x1xf32>
    %max3A_518 = arith.constant 0.000000e+00 : f32
    %max3A_519 = vector.broadcast %max3A_518 : f32 to vector<256x1xf32>
    %max3A_520 = arith.maximumf %broadcast_in_dim3A_517, %max3A_519 : vector<256x1xf32>
    %mul3A_521 = arith.constant -1.000000e+02 : f32
    %mul3A_522 = vector.broadcast %mul3A_521 : f32 to vector<256x1xf32>
    %mul3A_523 = arith.mulf %mul3A_522, %max3A_520 : vector<256x1xf32>
    %exp3A_524 = math.exp %mul3A_523 : vector<256x1xf32>
    %swap3A_525 = arith.constant 0 : index
    %swap3A_526 = arith.constant 512 : index
    %swap3A_527 = arith.constant 0 : index
    %swap3A_528 = vector.load %arg3[%swap3A_525, %swap3A_526, %swap3A_527] : memref<1x2048x1xf32, #tpu.memory_space<vmem>>, vector<1x256x1xf32>
    %swap3A_529 = vector.shape_cast %swap3A_528 : vector<1x256x1xf32> to vector<256x1xf32>
    %swap3A_530 = vector.shape_cast %exp3A_524 : vector<256x1xf32> to vector<1x256x1xf32>
    tpu.vector_store %arg3[%swap3A_525, %swap3A_526, %swap3A_527], %swap3A_530 {strides = array<i32>} : memref<1x2048x1xf32, #tpu.memory_space<vmem>>, vector<1x256x1xf32>,
    %get3A_531 = arith.constant 0 : index
    %get3A_532 = arith.constant 768 : index
    %get3A_533 = arith.constant 0 : index
    %get3A_534 = vector.load %arg1[%get3A_531, %get3A_532, %get3A_533] : memref<1x2048x3xf32, #tpu.memory_space<vmem>>, vector<1x256x3xf32>
    %get3A_535 = vector.shape_cast %get3A_534 : vector<1x256x3xf32> to vector<256x3xf32>
    %slice3A_536 = vector.extract_strided_slice %get3A_535 {offsets = [0, 0], sizes = [256, 1], strides = [1, 1]} : vector<256x3xf32> to vector<256x1xf32>
    %slice3A_537 = vector.extract_strided_slice %get3A_535 {offsets = [0, 1], sizes = [256, 1], strides = [1, 1]} : vector<256x3xf32> to vector<256x1xf32>
    %slice3A_538 = vector.extract_strided_slice %get3A_535 {offsets = [0, 2], sizes = [256, 1], strides = [1, 1]} : vector<256x3xf32> to vector<256x1xf32>
    %sub3A_539 = vector.broadcast %slice3A_536 : vector<256x1xf32> to vector<256x512xf32>
    %sub3A_540 = vector.broadcast %get3A_3 : vector<1x512xf32> to vector<256x512xf32>
    %sub3A_541 = arith.subf %sub3A_539, %sub3A_540 : vector<256x512xf32>
    %sub3A_542 = vector.broadcast %slice3A_537 : vector<256x1xf32> to vector<256x512xf32>
    %sub3A_543 = vector.broadcast %get3A_8 : vector<1x512xf32> to vector<256x512xf32>
    %sub3A_544 = arith.subf %sub3A_542, %sub3A_543 : vector<256x512xf32>
    %sub3A_545 = vector.broadcast %slice3A_538 : vector<256x1xf32> to vector<256x512xf32>
    %sub3A_546 = vector.broadcast %get3A_13 : vector<1x512xf32> to vector<256x512xf32>
    %sub3A_547 = arith.subf %sub3A_545, %sub3A_546 : vector<256x512xf32>
    %mul3A_548 = vector.broadcast %sub3A : vector<1x512xf32> to vector<256x512xf32>
    %mul3A_549 = arith.mulf %sub3A_541, %mul3A_548 : vector<256x512xf32>
    %mul3A_550 = vector.broadcast %sub3A_44 : vector<1x512xf32> to vector<256x512xf32>
    %mul3A_551 = arith.mulf %sub3A_544, %mul3A_550 : vector<256x512xf32>
    %add3A_552 = arith.addf %mul3A_549, %mul3A_551 : vector<256x512xf32>
    %mul3A_553 = vector.broadcast %sub3A_45 : vector<1x512xf32> to vector<256x512xf32>
    %mul3A_554 = arith.mulf %sub3A_547, %mul3A_553 : vector<256x512xf32>
    %add3A_555 = arith.addf %add3A_552, %mul3A_554 : vector<256x512xf32>
    %mul3A_556 = vector.broadcast %sub3A_46 : vector<1x512xf32> to vector<256x512xf32>
    %mul3A_557 = arith.mulf %sub3A_541, %mul3A_556 : vector<256x512xf32>
    %mul3A_558 = vector.broadcast %sub3A_47 : vector<1x512xf32> to vector<256x512xf32>
    %mul3A_559 = arith.mulf %sub3A_544, %mul3A_558 : vector<256x512xf32>
    %add3A_560 = arith.addf %mul3A_557, %mul3A_559 : vector<256x512xf32>
    %mul3A_561 = vector.broadcast %sub3A_48 : vector<1x512xf32> to vector<256x512xf32>
    %mul3A_562 = arith.mulf %sub3A_547, %mul3A_561 : vector<256x512xf32>
    %add3A_563 = arith.addf %add3A_560, %mul3A_562 : vector<256x512xf32>
    %mul3A_564 = arith.mulf %sub3A_541, %sub3A_541 : vector<256x512xf32>
    %mul3A_565 = arith.mulf %sub3A_544, %sub3A_544 : vector<256x512xf32>
    %add3A_566 = arith.addf %mul3A_564, %mul3A_565 : vector<256x512xf32>
    %mul3A_567 = arith.mulf %sub3A_547, %sub3A_547 : vector<256x512xf32>
    %add3A_568 = arith.addf %add3A_566, %mul3A_567 : vector<256x512xf32>
    %add3A_569 = arith.addf %add3A_555, %add3A_555 : vector<256x512xf32>
    %sub3A_570 = arith.subf %add3A_568, %add3A_569 : vector<256x512xf32>
    %add3A_571 = vector.broadcast %add3A_54 : vector<1x512xf32> to vector<256x512xf32>
    %add3A_572 = arith.addf %sub3A_570, %add3A_571 : vector<256x512xf32>
    %sub3A_573 = arith.subf %add3A_563, %add3A_555 : vector<256x512xf32>
    %add3A_574 = vector.broadcast %sub3A_106 : vector<1x512xf32> to vector<256x512xf32>
    %add3A_575 = arith.addf %sub3A_573, %add3A_574 : vector<256x512xf32>
    %mul3A_576 = vector.broadcast %div3A_73 : vector<1x512xf32> to vector<256x512xf32>
    %mul3A_577 = arith.mulf %add3A_555, %mul3A_576 : vector<256x512xf32>
    %jit3A_578 = arith.constant 0.000000e+00 : f32
    %jit3A_579 = arith.constant 1.000000e+00 : f32
    %max3A_580 = vector.broadcast %jit3A_578 : f32 to vector<256x512xf32>
    %max3A_581 = arith.maximumf %max3A_580, %mul3A_577 : vector<256x512xf32>
    %min3A_582 = vector.broadcast %jit3A_579 : f32 to vector<256x512xf32>
    %min3A_583 = arith.minimumf %min3A_582, %max3A_581 : vector<256x512xf32>
    %mul3A_584 = vector.broadcast %add3A_54 : vector<1x512xf32> to vector<256x512xf32>
    %mul3A_585 = arith.mulf %min3A_583, %mul3A_584 : vector<256x512xf32>
    %sub3A_586 = arith.subf %add3A_569, %mul3A_585 : vector<256x512xf32>
    %mul3A_587 = arith.mulf %min3A_583, %sub3A_586 : vector<256x512xf32>
    %sub3A_588 = arith.subf %add3A_568, %mul3A_587 : vector<256x512xf32>
    %add3A_589 = arith.addf %add3A_563, %add3A_563 : vector<256x512xf32>
    %mul3A_590 = vector.broadcast %div3A_79 : vector<1x512xf32> to vector<256x512xf32>
    %mul3A_591 = arith.mulf %add3A_563, %mul3A_590 : vector<256x512xf32>
    %jit3A_592 = arith.constant 0.000000e+00 : f32
    %jit3A_593 = arith.constant 1.000000e+00 : f32
    %max3A_594 = vector.broadcast %jit3A_592 : f32 to vector<256x512xf32>
    %max3A_595 = arith.maximumf %max3A_594, %mul3A_591 : vector<256x512xf32>
    %min3A_596 = vector.broadcast %jit3A_593 : f32 to vector<256x512xf32>
    %min3A_597 = arith.minimumf %min3A_596, %max3A_595 : vector<256x512xf32>
    %mul3A_598 = vector.broadcast %add3A_59 : vector<1x512xf32> to vector<256x512xf32>
    %mul3A_599 = arith.mulf %min3A_597, %mul3A_598 : vector<256x512xf32>
    %sub3A_600 = arith.subf %add3A_589, %mul3A_599 : vector<256x512xf32>
    %mul3A_601 = arith.mulf %min3A_597, %sub3A_600 : vector<256x512xf32>
    %sub3A_602 = arith.subf %add3A_568, %mul3A_601 : vector<256x512xf32>
    %add3A_603 = arith.addf %add3A_575, %add3A_575 : vector<256x512xf32>
    %mul3A_604 = vector.broadcast %div3A_85 : vector<1x512xf32> to vector<256x512xf32>
    %mul3A_605 = arith.mulf %add3A_575, %mul3A_604 : vector<256x512xf32>
    %jit3A_606 = arith.constant 0.000000e+00 : f32
    %jit3A_607 = arith.constant 1.000000e+00 : f32
    %max3A_608 = vector.broadcast %jit3A_606 : f32 to vector<256x512xf32>
    %max3A_609 = arith.maximumf %max3A_608, %mul3A_605 : vector<256x512xf32>
    %min3A_610 = vector.broadcast %jit3A_607 : f32 to vector<256x512xf32>
    %min3A_611 = arith.minimumf %min3A_610, %max3A_609 : vector<256x512xf32>
    %mul3A_612 = vector.broadcast %add3A_64 : vector<1x512xf32> to vector<256x512xf32>
    %mul3A_613 = arith.mulf %min3A_611, %mul3A_612 : vector<256x512xf32>
    %sub3A_614 = arith.subf %add3A_603, %mul3A_613 : vector<256x512xf32>
    %mul3A_615 = arith.mulf %min3A_611, %sub3A_614 : vector<256x512xf32>
    %sub3A_616 = arith.subf %add3A_572, %mul3A_615 : vector<256x512xf32>
    %mul3A_617 = vector.broadcast %add3A_59 : vector<1x512xf32> to vector<256x512xf32>
    %mul3A_618 = arith.mulf %mul3A_617, %add3A_555 : vector<256x512xf32>
    %mul3A_619 = vector.broadcast %add3A_69 : vector<1x512xf32> to vector<256x512xf32>
    %mul3A_620 = arith.mulf %mul3A_619, %add3A_563 : vector<256x512xf32>
    %sub3A_621 = arith.subf %mul3A_618, %mul3A_620 : vector<256x512xf32>
    %mul3A_622 = vector.broadcast %add3A_54 : vector<1x512xf32> to vector<256x512xf32>
    %mul3A_623 = arith.mulf %mul3A_622, %add3A_563 : vector<256x512xf32>
    %mul3A_624 = vector.broadcast %add3A_69 : vector<1x512xf32> to vector<256x512xf32>
    %mul3A_625 = arith.mulf %mul3A_624, %add3A_555 : vector<256x512xf32>
    %sub3A_626 = arith.subf %mul3A_623, %mul3A_625 : vector<256x512xf32>
    %add3A_627 = arith.addf %sub3A_621, %sub3A_626 : vector<256x512xf32>
    %min3A_628 = arith.minimumf %sub3A_621, %sub3A_626 : vector<256x512xf32>
    %sub3A_629 = vector.broadcast %add3A_99 : vector<1x512xf32> to vector<256x512xf32>
    %sub3A_630 = arith.subf %sub3A_629, %add3A_627 : vector<256x512xf32>
    %min3A_631 = arith.minimumf %min3A_628, %sub3A_630 : vector<256x512xf32>
    %mul3A_632 = vector.broadcast %sub3A_88 : vector<1x512xf32> to vector<256x512xf32>
    %mul3A_633 = arith.mulf %sub3A_541, %mul3A_632 : vector<256x512xf32>
    %mul3A_634 = vector.broadcast %sub3A_91 : vector<1x512xf32> to vector<256x512xf32>
    %mul3A_635 = arith.mulf %sub3A_544, %mul3A_634 : vector<256x512xf32>
    %add3A_636 = arith.addf %mul3A_633, %mul3A_635 : vector<256x512xf32>
    %mul3A_637 = vector.broadcast %sub3A_94 : vector<1x512xf32> to vector<256x512xf32>
    %mul3A_638 = arith.mulf %sub3A_547, %mul3A_637 : vector<256x512xf32>
    %add3A_639 = arith.addf %add3A_636, %mul3A_638 : vector<256x512xf32>
    %mul3A_640 = arith.mulf %add3A_639, %add3A_639 : vector<256x512xf32>
    %mul3A_641 = vector.broadcast %div3A_105 : vector<1x512xf32> to vector<256x512xf32>
    %mul3A_642 = arith.mulf %mul3A_640, %mul3A_641 : vector<256x512xf32>
    %min3A_643 = arith.minimumf %sub3A_588, %sub3A_602 : vector<256x512xf32>
    %min3A_644 = arith.minimumf %min3A_643, %sub3A_616 : vector<256x512xf32>
    %gt3A_645 = arith.constant 0.000000e+00 : f32
    %gt3A_646 = vector.broadcast %gt3A_645 : f32 to vector<256x512xf32>
    %gt3A_647 = arith.cmpf ogt, %min3A_631, %gt3A_646 : vector<256x512xf32>
    %select_n3A_648 = arith.select %gt3A_647, %mul3A_642, %min3A_644 : vector<256x512xi1>, vector<256x512xf32>
    %min3A_649 = arith.minimumf %select_n3A_648, %min3A_644 : vector<256x512xf32>
    %sub3A_650 = vector.broadcast %add3A_59 : vector<1x512xf32> to vector<256x512xf32>
    %sub3A_651 = arith.subf %add3A_563, %sub3A_650 : vector<256x512xf32>
    %ge3A_652 = arith.constant 0.000000e+00 : f32
    %ge3A_653 = vector.broadcast %ge3A_652 : f32 to vector<256x512xf32>
    %ge3A_654 = arith.cmpf oge, %sub3A_651, %ge3A_653 : vector<256x512xf32>
    %select_n3A_655 = arith.select %ge3A_654, %sub3A_602, %add3A_568 : vector<256x512xi1>, vector<256x512xf32>
    %broadcast_in_dim3A_656 = vector.shape_cast %eq3A_108 : vector<1x512xi1> to vector<1x512xi1>
    %broadcast_in_dim3A_657 = vector.broadcast %broadcast_in_dim3A_656 : vector<1x512xi1> to vector<256x512xi1>
    %select_n3A_658 = arith.select %broadcast_in_dim3A_657, %select_n3A_655, %min3A_649 : vector<256x512xi1>, vector<256x512xf32>
    %reduce_min3A_659 = arith.constant dense<0x7F800000> : vector<256xf32>
    %reduce_min3A_660 = vector.multi_reduction <minimumf>, %select_n3A_658, %reduce_min3A_659 [1] : vector<256x512xf32> to vector<256xf32>
    %broadcast_in_dim3A_661 = vector.shape_cast %reduce_min3A_660 : vector<256xf32> to vector<256x1xf32>
    %max3A_662 = arith.constant 0.000000e+00 : f32
    %max3A_663 = vector.broadcast %max3A_662 : f32 to vector<256x1xf32>
    %max3A_664 = arith.maximumf %broadcast_in_dim3A_661, %max3A_663 : vector<256x1xf32>
    %mul3A_665 = arith.constant -1.000000e+02 : f32
    %mul3A_666 = vector.broadcast %mul3A_665 : f32 to vector<256x1xf32>
    %mul3A_667 = arith.mulf %mul3A_666, %max3A_664 : vector<256x1xf32>
    %exp3A_668 = math.exp %mul3A_667 : vector<256x1xf32>
    %swap3A_669 = arith.constant 0 : index
    %swap3A_670 = arith.constant 768 : index
    %swap3A_671 = arith.constant 0 : index
    %swap3A_672 = vector.load %arg3[%swap3A_669, %swap3A_670, %swap3A_671] : memref<1x2048x1xf32, #tpu.memory_space<vmem>>, vector<1x256x1xf32>
    %swap3A_673 = vector.shape_cast %swap3A_672 : vector<1x256x1xf32> to vector<256x1xf32>
    %swap3A_674 = vector.shape_cast %exp3A_668 : vector<256x1xf32> to vector<1x256x1xf32>
    tpu.vector_store %arg3[%swap3A_669, %swap3A_670, %swap3A_671], %swap3A_674 {strides = array<i32>} : memref<1x2048x1xf32, #tpu.memory_space<vmem>>, vector<1x256x1xf32>,
    %get3A_675 = arith.constant 0 : index
    %get3A_676 = arith.constant 1024 : index
    %get3A_677 = arith.constant 0 : index
    %get3A_678 = vector.load %arg1[%get3A_675, %get3A_676, %get3A_677] : memref<1x2048x3xf32, #tpu.memory_space<vmem>>, vector<1x256x3xf32>
    %get3A_679 = vector.shape_cast %get3A_678 : vector<1x256x3xf32> to vector<256x3xf32>
    %slice3A_680 = vector.extract_strided_slice %get3A_679 {offsets = [0, 0], sizes = [256, 1], strides = [1, 1]} : vector<256x3xf32> to vector<256x1xf32>
    %slice3A_681 = vector.extract_strided_slice %get3A_679 {offsets = [0, 1], sizes = [256, 1], strides = [1, 1]} : vector<256x3xf32> to vector<256x1xf32>
    %slice3A_682 = vector.extract_strided_slice %get3A_679 {offsets = [0, 2], sizes = [256, 1], strides = [1, 1]} : vector<256x3xf32> to vector<256x1xf32>
    %sub3A_683 = vector.broadcast %slice3A_680 : vector<256x1xf32> to vector<256x512xf32>
    %sub3A_684 = vector.broadcast %get3A_3 : vector<1x512xf32> to vector<256x512xf32>
    %sub3A_685 = arith.subf %sub3A_683, %sub3A_684 : vector<256x512xf32>
    %sub3A_686 = vector.broadcast %slice3A_681 : vector<256x1xf32> to vector<256x512xf32>
    %sub3A_687 = vector.broadcast %get3A_8 : vector<1x512xf32> to vector<256x512xf32>
    %sub3A_688 = arith.subf %sub3A_686, %sub3A_687 : vector<256x512xf32>
    %sub3A_689 = vector.broadcast %slice3A_682 : vector<256x1xf32> to vector<256x512xf32>
    %sub3A_690 = vector.broadcast %get3A_13 : vector<1x512xf32> to vector<256x512xf32>
    %sub3A_691 = arith.subf %sub3A_689, %sub3A_690 : vector<256x512xf32>
    %mul3A_692 = vector.broadcast %sub3A : vector<1x512xf32> to vector<256x512xf32>
    %mul3A_693 = arith.mulf %sub3A_685, %mul3A_692 : vector<256x512xf32>
    %mul3A_694 = vector.broadcast %sub3A_44 : vector<1x512xf32> to vector<256x512xf32>
    %mul3A_695 = arith.mulf %sub3A_688, %mul3A_694 : vector<256x512xf32>
    %add3A_696 = arith.addf %mul3A_693, %mul3A_695 : vector<256x512xf32>
    %mul3A_697 = vector.broadcast %sub3A_45 : vector<1x512xf32> to vector<256x512xf32>
    %mul3A_698 = arith.mulf %sub3A_691, %mul3A_697 : vector<256x512xf32>
    %add3A_699 = arith.addf %add3A_696, %mul3A_698 : vector<256x512xf32>
    %mul3A_700 = vector.broadcast %sub3A_46 : vector<1x512xf32> to vector<256x512xf32>
    %mul3A_701 = arith.mulf %sub3A_685, %mul3A_700 : vector<256x512xf32>
    %mul3A_702 = vector.broadcast %sub3A_47 : vector<1x512xf32> to vector<256x512xf32>
    %mul3A_703 = arith.mulf %sub3A_688, %mul3A_702 : vector<256x512xf32>
    %add3A_704 = arith.addf %mul3A_701, %mul3A_703 : vector<256x512xf32>
    %mul3A_705 = vector.broadcast %sub3A_48 : vector<1x512xf32> to vector<256x512xf32>
    %mul3A_706 = arith.mulf %sub3A_691, %mul3A_705 : vector<256x512xf32>
    %add3A_707 = arith.addf %add3A_704, %mul3A_706 : vector<256x512xf32>
    %mul3A_708 = arith.mulf %sub3A_685, %sub3A_685 : vector<256x512xf32>
    %mul3A_709 = arith.mulf %sub3A_688, %sub3A_688 : vector<256x512xf32>
    %add3A_710 = arith.addf %mul3A_708, %mul3A_709 : vector<256x512xf32>
    %mul3A_711 = arith.mulf %sub3A_691, %sub3A_691 : vector<256x512xf32>
    %add3A_712 = arith.addf %add3A_710, %mul3A_711 : vector<256x512xf32>
    %add3A_713 = arith.addf %add3A_699, %add3A_699 : vector<256x512xf32>
    %sub3A_714 = arith.subf %add3A_712, %add3A_713 : vector<256x512xf32>
    %add3A_715 = vector.broadcast %add3A_54 : vector<1x512xf32> to vector<256x512xf32>
    %add3A_716 = arith.addf %sub3A_714, %add3A_715 : vector<256x512xf32>
    %sub3A_717 = arith.subf %add3A_707, %add3A_699 : vector<256x512xf32>
    %add3A_718 = vector.broadcast %sub3A_106 : vector<1x512xf32> to vector<256x512xf32>
    %add3A_719 = arith.addf %sub3A_717, %add3A_718 : vector<256x512xf32>
    %mul3A_720 = vector.broadcast %div3A_73 : vector<1x512xf32> to vector<256x512xf32>
    %mul3A_721 = arith.mulf %add3A_699, %mul3A_720 : vector<256x512xf32>
    %jit3A_722 = arith.constant 0.000000e+00 : f32
    %jit3A_723 = arith.constant 1.000000e+00 : f32
    %max3A_724 = vector.broadcast %jit3A_722 : f32 to vector<256x512xf32>
    %max3A_725 = arith.maximumf %max3A_724, %mul3A_721 : vector<256x512xf32>
    %min3A_726 = vector.broadcast %jit3A_723 : f32 to vector<256x512xf32>
    %min3A_727 = arith.minimumf %min3A_726, %max3A_725 : vector<256x512xf32>
    %mul3A_728 = vector.broadcast %add3A_54 : vector<1x512xf32> to vector<256x512xf32>
    %mul3A_729 = arith.mulf %min3A_727, %mul3A_728 : vector<256x512xf32>
    %sub3A_730 = arith.subf %add3A_713, %mul3A_729 : vector<256x512xf32>
    %mul3A_731 = arith.mulf %min3A_727, %sub3A_730 : vector<256x512xf32>
    %sub3A_732 = arith.subf %add3A_712, %mul3A_731 : vector<256x512xf32>
    %add3A_733 = arith.addf %add3A_707, %add3A_707 : vector<256x512xf32>
    %mul3A_734 = vector.broadcast %div3A_79 : vector<1x512xf32> to vector<256x512xf32>
    %mul3A_735 = arith.mulf %add3A_707, %mul3A_734 : vector<256x512xf32>
    %jit3A_736 = arith.constant 0.000000e+00 : f32
    %jit3A_737 = arith.constant 1.000000e+00 : f32
    %max3A_738 = vector.broadcast %jit3A_736 : f32 to vector<256x512xf32>
    %max3A_739 = arith.maximumf %max3A_738, %mul3A_735 : vector<256x512xf32>
    %min3A_740 = vector.broadcast %jit3A_737 : f32 to vector<256x512xf32>
    %min3A_741 = arith.minimumf %min3A_740, %max3A_739 : vector<256x512xf32>
    %mul3A_742 = vector.broadcast %add3A_59 : vector<1x512xf32> to vector<256x512xf32>
    %mul3A_743 = arith.mulf %min3A_741, %mul3A_742 : vector<256x512xf32>
    %sub3A_744 = arith.subf %add3A_733, %mul3A_743 : vector<256x512xf32>
    %mul3A_745 = arith.mulf %min3A_741, %sub3A_744 : vector<256x512xf32>
    %sub3A_746 = arith.subf %add3A_712, %mul3A_745 : vector<256x512xf32>
    %add3A_747 = arith.addf %add3A_719, %add3A_719 : vector<256x512xf32>
    %mul3A_748 = vector.broadcast %div3A_85 : vector<1x512xf32> to vector<256x512xf32>
    %mul3A_749 = arith.mulf %add3A_719, %mul3A_748 : vector<256x512xf32>
    %jit3A_750 = arith.constant 0.000000e+00 : f32
    %jit3A_751 = arith.constant 1.000000e+00 : f32
    %max3A_752 = vector.broadcast %jit3A_750 : f32 to vector<256x512xf32>
    %max3A_753 = arith.maximumf %max3A_752, %mul3A_749 : vector<256x512xf32>
    %min3A_754 = vector.broadcast %jit3A_751 : f32 to vector<256x512xf32>
    %min3A_755 = arith.minimumf %min3A_754, %max3A_753 : vector<256x512xf32>
    %mul3A_756 = vector.broadcast %add3A_64 : vector<1x512xf32> to vector<256x512xf32>
    %mul3A_757 = arith.mulf %min3A_755, %mul3A_756 : vector<256x512xf32>
    %sub3A_758 = arith.subf %add3A_747, %mul3A_757 : vector<256x512xf32>
    %mul3A_759 = arith.mulf %min3A_755, %sub3A_758 : vector<256x512xf32>
    %sub3A_760 = arith.subf %add3A_716, %mul3A_759 : vector<256x512xf32>
    %mul3A_761 = vector.broadcast %add3A_59 : vector<1x512xf32> to vector<256x512xf32>
    %mul3A_762 = arith.mulf %mul3A_761, %add3A_699 : vector<256x512xf32>
    %mul3A_763 = vector.broadcast %add3A_69 : vector<1x512xf32> to vector<256x512xf32>
    %mul3A_764 = arith.mulf %mul3A_763, %add3A_707 : vector<256x512xf32>
    %sub3A_765 = arith.subf %mul3A_762, %mul3A_764 : vector<256x512xf32>
    %mul3A_766 = vector.broadcast %add3A_54 : vector<1x512xf32> to vector<256x512xf32>
    %mul3A_767 = arith.mulf %mul3A_766, %add3A_707 : vector<256x512xf32>
    %mul3A_768 = vector.broadcast %add3A_69 : vector<1x512xf32> to vector<256x512xf32>
    %mul3A_769 = arith.mulf %mul3A_768, %add3A_699 : vector<256x512xf32>
    %sub3A_770 = arith.subf %mul3A_767, %mul3A_769 : vector<256x512xf32>
    %add3A_771 = arith.addf %sub3A_765, %sub3A_770 : vector<256x512xf32>
    %min3A_772 = arith.minimumf %sub3A_765, %sub3A_770 : vector<256x512xf32>
    %sub3A_773 = vector.broadcast %add3A_99 : vector<1x512xf32> to vector<256x512xf32>
    %sub3A_774 = arith.subf %sub3A_773, %add3A_771 : vector<256x512xf32>
    %min3A_775 = arith.minimumf %min3A_772, %sub3A_774 : vector<256x512xf32>
    %mul3A_776 = vector.broadcast %sub3A_88 : vector<1x512xf32> to vector<256x512xf32>
    %mul3A_777 = arith.mulf %sub3A_685, %mul3A_776 : vector<256x512xf32>
    %mul3A_778 = vector.broadcast %sub3A_91 : vector<1x512xf32> to vector<256x512xf32>
    %mul3A_779 = arith.mulf %sub3A_688, %mul3A_778 : vector<256x512xf32>
    %add3A_780 = arith.addf %mul3A_777, %mul3A_779 : vector<256x512xf32>
    %mul3A_781 = vector.broadcast %sub3A_94 : vector<1x512xf32> to vector<256x512xf32>
    %mul3A_782 = arith.mulf %sub3A_691, %mul3A_781 : vector<256x512xf32>
    %add3A_783 = arith.addf %add3A_780, %mul3A_782 : vector<256x512xf32>
    %mul3A_784 = arith.mulf %add3A_783, %add3A_783 : vector<256x512xf32>
    %mul3A_785 = vector.broadcast %div3A_105 : vector<1x512xf32> to vector<256x512xf32>
    %mul3A_786 = arith.mulf %mul3A_784, %mul3A_785 : vector<256x512xf32>
    %min3A_787 = arith.minimumf %sub3A_732, %sub3A_746 : vector<256x512xf32>
    %min3A_788 = arith.minimumf %min3A_787, %sub3A_760 : vector<256x512xf32>
    %gt3A_789 = arith.constant 0.000000e+00 : f32
    %gt3A_790 = vector.broadcast %gt3A_789 : f32 to vector<256x512xf32>
    %gt3A_791 = arith.cmpf ogt, %min3A_775, %gt3A_790 : vector<256x512xf32>
    %select_n3A_792 = arith.select %gt3A_791, %mul3A_786, %min3A_788 : vector<256x512xi1>, vector<256x512xf32>
    %min3A_793 = arith.minimumf %select_n3A_792, %min3A_788 : vector<256x512xf32>
    %sub3A_794 = vector.broadcast %add3A_59 : vector<1x512xf32> to vector<256x512xf32>
    %sub3A_795 = arith.subf %add3A_707, %sub3A_794 : vector<256x512xf32>
    %ge3A_796 = arith.constant 0.000000e+00 : f32
    %ge3A_797 = vector.broadcast %ge3A_796 : f32 to vector<256x512xf32>
    %ge3A_798 = arith.cmpf oge, %sub3A_795, %ge3A_797 : vector<256x512xf32>
    %select_n3A_799 = arith.select %ge3A_798, %sub3A_746, %add3A_712 : vector<256x512xi1>, vector<256x512xf32>
    %broadcast_in_dim3A_800 = vector.shape_cast %eq3A_108 : vector<1x512xi1> to vector<1x512xi1>
    %broadcast_in_dim3A_801 = vector.broadcast %broadcast_in_dim3A_800 : vector<1x512xi1> to vector<256x512xi1>
    %select_n3A_802 = arith.select %broadcast_in_dim3A_801, %select_n3A_799, %min3A_793 : vector<256x512xi1>, vector<256x512xf32>
    %reduce_min3A_803 = arith.constant dense<0x7F800000> : vector<256xf32>
    %reduce_min3A_804 = vector.multi_reduction <minimumf>, %select_n3A_802, %reduce_min3A_803 [1] : vector<256x512xf32> to vector<256xf32>
    %broadcast_in_dim3A_805 = vector.shape_cast %reduce_min3A_804 : vector<256xf32> to vector<256x1xf32>
    %max3A_806 = arith.constant 0.000000e+00 : f32
    %max3A_807 = vector.broadcast %max3A_806 : f32 to vector<256x1xf32>
    %max3A_808 = arith.maximumf %broadcast_in_dim3A_805, %max3A_807 : vector<256x1xf32>
    %mul3A_809 = arith.constant -1.000000e+02 : f32
    %mul3A_810 = vector.broadcast %mul3A_809 : f32 to vector<256x1xf32>
    %mul3A_811 = arith.mulf %mul3A_810, %max3A_808 : vector<256x1xf32>
    %exp3A_812 = math.exp %mul3A_811 : vector<256x1xf32>
    %swap3A_813 = arith.constant 0 : index
    %swap3A_814 = arith.constant 1024 : index
    %swap3A_815 = arith.constant 0 : index
    %swap3A_816 = vector.load %arg3[%swap3A_813, %swap3A_814, %swap3A_815] : memref<1x2048x1xf32, #tpu.memory_space<vmem>>, vector<1x256x1xf32>
    %swap3A_817 = vector.shape_cast %swap3A_816 : vector<1x256x1xf32> to vector<256x1xf32>
    %swap3A_818 = vector.shape_cast %exp3A_812 : vector<256x1xf32> to vector<1x256x1xf32>
    tpu.vector_store %arg3[%swap3A_813, %swap3A_814, %swap3A_815], %swap3A_818 {strides = array<i32>} : memref<1x2048x1xf32, #tpu.memory_space<vmem>>, vector<1x256x1xf32>,
    %get3A_819 = arith.constant 0 : index
    %get3A_820 = arith.constant 1280 : index
    %get3A_821 = arith.constant 0 : index
    %get3A_822 = vector.load %arg1[%get3A_819, %get3A_820, %get3A_821] : memref<1x2048x3xf32, #tpu.memory_space<vmem>>, vector<1x256x3xf32>
    %get3A_823 = vector.shape_cast %get3A_822 : vector<1x256x3xf32> to vector<256x3xf32>
    %slice3A_824 = vector.extract_strided_slice %get3A_823 {offsets = [0, 0], sizes = [256, 1], strides = [1, 1]} : vector<256x3xf32> to vector<256x1xf32>
    %slice3A_825 = vector.extract_strided_slice %get3A_823 {offsets = [0, 1], sizes = [256, 1], strides = [1, 1]} : vector<256x3xf32> to vector<256x1xf32>
    %slice3A_826 = vector.extract_strided_slice %get3A_823 {offsets = [0, 2], sizes = [256, 1], strides = [1, 1]} : vector<256x3xf32> to vector<256x1xf32>
    %sub3A_827 = vector.broadcast %slice3A_824 : vector<256x1xf32> to vector<256x512xf32>
    %sub3A_828 = vector.broadcast %get3A_3 : vector<1x512xf32> to vector<256x512xf32>
    %sub3A_829 = arith.subf %sub3A_827, %sub3A_828 : vector<256x512xf32>
    %sub3A_830 = vector.broadcast %slice3A_825 : vector<256x1xf32> to vector<256x512xf32>
    %sub3A_831 = vector.broadcast %get3A_8 : vector<1x512xf32> to vector<256x512xf32>
    %sub3A_832 = arith.subf %sub3A_830, %sub3A_831 : vector<256x512xf32>
    %sub3A_833 = vector.broadcast %slice3A_826 : vector<256x1xf32> to vector<256x512xf32>
    %sub3A_834 = vector.broadcast %get3A_13 : vector<1x512xf32> to vector<256x512xf32>
    %sub3A_835 = arith.subf %sub3A_833, %sub3A_834 : vector<256x512xf32>
    %mul3A_836 = vector.broadcast %sub3A : vector<1x512xf32> to vector<256x512xf32>
    %mul3A_837 = arith.mulf %sub3A_829, %mul3A_836 : vector<256x512xf32>
    %mul3A_838 = vector.broadcast %sub3A_44 : vector<1x512xf32> to vector<256x512xf32>
    %mul3A_839 = arith.mulf %sub3A_832, %mul3A_838 : vector<256x512xf32>
    %add3A_840 = arith.addf %mul3A_837, %mul3A_839 : vector<256x512xf32>
    %mul3A_841 = vector.broadcast %sub3A_45 : vector<1x512xf32> to vector<256x512xf32>
    %mul3A_842 = arith.mulf %sub3A_835, %mul3A_841 : vector<256x512xf32>
    %add3A_843 = arith.addf %add3A_840, %mul3A_842 : vector<256x512xf32>
    %mul3A_844 = vector.broadcast %sub3A_46 : vector<1x512xf32> to vector<256x512xf32>
    %mul3A_845 = arith.mulf %sub3A_829, %mul3A_844 : vector<256x512xf32>
    %mul3A_846 = vector.broadcast %sub3A_47 : vector<1x512xf32> to vector<256x512xf32>
    %mul3A_847 = arith.mulf %sub3A_832, %mul3A_846 : vector<256x512xf32>
    %add3A_848 = arith.addf %mul3A_845, %mul3A_847 : vector<256x512xf32>
    %mul3A_849 = vector.broadcast %sub3A_48 : vector<1x512xf32> to vector<256x512xf32>
    %mul3A_850 = arith.mulf %sub3A_835, %mul3A_849 : vector<256x512xf32>
    %add3A_851 = arith.addf %add3A_848, %mul3A_850 : vector<256x512xf32>
    %mul3A_852 = arith.mulf %sub3A_829, %sub3A_829 : vector<256x512xf32>
    %mul3A_853 = arith.mulf %sub3A_832, %sub3A_832 : vector<256x512xf32>
    %add3A_854 = arith.addf %mul3A_852, %mul3A_853 : vector<256x512xf32>
    %mul3A_855 = arith.mulf %sub3A_835, %sub3A_835 : vector<256x512xf32>
    %add3A_856 = arith.addf %add3A_854, %mul3A_855 : vector<256x512xf32>
    %add3A_857 = arith.addf %add3A_843, %add3A_843 : vector<256x512xf32>
    %sub3A_858 = arith.subf %add3A_856, %add3A_857 : vector<256x512xf32>
    %add3A_859 = vector.broadcast %add3A_54 : vector<1x512xf32> to vector<256x512xf32>
    %add3A_860 = arith.addf %sub3A_858, %add3A_859 : vector<256x512xf32>
    %sub3A_861 = arith.subf %add3A_851, %add3A_843 : vector<256x512xf32>
    %add3A_862 = vector.broadcast %sub3A_106 : vector<1x512xf32> to vector<256x512xf32>
    %add3A_863 = arith.addf %sub3A_861, %add3A_862 : vector<256x512xf32>
    %mul3A_864 = vector.broadcast %div3A_73 : vector<1x512xf32> to vector<256x512xf32>
    %mul3A_865 = arith.mulf %add3A_843, %mul3A_864 : vector<256x512xf32>
    %jit3A_866 = arith.constant 0.000000e+00 : f32
    %jit3A_867 = arith.constant 1.000000e+00 : f32
    %max3A_868 = vector.broadcast %jit3A_866 : f32 to vector<256x512xf32>
    %max3A_869 = arith.maximumf %max3A_868, %mul3A_865 : vector<256x512xf32>
    %min3A_870 = vector.broadcast %jit3A_867 : f32 to vector<256x512xf32>
    %min3A_871 = arith.minimumf %min3A_870, %max3A_869 : vector<256x512xf32>
    %mul3A_872 = vector.broadcast %add3A_54 : vector<1x512xf32> to vector<256x512xf32>
    %mul3A_873 = arith.mulf %min3A_871, %mul3A_872 : vector<256x512xf32>
    %sub3A_874 = arith.subf %add3A_857, %mul3A_873 : vector<256x512xf32>
    %mul3A_875 = arith.mulf %min3A_871, %sub3A_874 : vector<256x512xf32>
    %sub3A_876 = arith.subf %add3A_856, %mul3A_875 : vector<256x512xf32>
    %add3A_877 = arith.addf %add3A_851, %add3A_851 : vector<256x512xf32>
    %mul3A_878 = vector.broadcast %div3A_79 : vector<1x512xf32> to vector<256x512xf32>
    %mul3A_879 = arith.mulf %add3A_851, %mul3A_878 : vector<256x512xf32>
    %jit3A_880 = arith.constant 0.000000e+00 : f32
    %jit3A_881 = arith.constant 1.000000e+00 : f32
    %max3A_882 = vector.broadcast %jit3A_880 : f32 to vector<256x512xf32>
    %max3A_883 = arith.maximumf %max3A_882, %mul3A_879 : vector<256x512xf32>
    %min3A_884 = vector.broadcast %jit3A_881 : f32 to vector<256x512xf32>
    %min3A_885 = arith.minimumf %min3A_884, %max3A_883 : vector<256x512xf32>
    %mul3A_886 = vector.broadcast %add3A_59 : vector<1x512xf32> to vector<256x512xf32>
    %mul3A_887 = arith.mulf %min3A_885, %mul3A_886 : vector<256x512xf32>
    %sub3A_888 = arith.subf %add3A_877, %mul3A_887 : vector<256x512xf32>
    %mul3A_889 = arith.mulf %min3A_885, %sub3A_888 : vector<256x512xf32>
    %sub3A_890 = arith.subf %add3A_856, %mul3A_889 : vector<256x512xf32>
    %add3A_891 = arith.addf %add3A_863, %add3A_863 : vector<256x512xf32>
    %mul3A_892 = vector.broadcast %div3A_85 : vector<1x512xf32> to vector<256x512xf32>
    %mul3A_893 = arith.mulf %add3A_863, %mul3A_892 : vector<256x512xf32>
    %jit3A_894 = arith.constant 0.000000e+00 : f32
    %jit3A_895 = arith.constant 1.000000e+00 : f32
    %max3A_896 = vector.broadcast %jit3A_894 : f32 to vector<256x512xf32>
    %max3A_897 = arith.maximumf %max3A_896, %mul3A_893 : vector<256x512xf32>
    %min3A_898 = vector.broadcast %jit3A_895 : f32 to vector<256x512xf32>
    %min3A_899 = arith.minimumf %min3A_898, %max3A_897 : vector<256x512xf32>
    %mul3A_900 = vector.broadcast %add3A_64 : vector<1x512xf32> to vector<256x512xf32>
    %mul3A_901 = arith.mulf %min3A_899, %mul3A_900 : vector<256x512xf32>
    %sub3A_902 = arith.subf %add3A_891, %mul3A_901 : vector<256x512xf32>
    %mul3A_903 = arith.mulf %min3A_899, %sub3A_902 : vector<256x512xf32>
    %sub3A_904 = arith.subf %add3A_860, %mul3A_903 : vector<256x512xf32>
    %mul3A_905 = vector.broadcast %add3A_59 : vector<1x512xf32> to vector<256x512xf32>
    %mul3A_906 = arith.mulf %mul3A_905, %add3A_843 : vector<256x512xf32>
    %mul3A_907 = vector.broadcast %add3A_69 : vector<1x512xf32> to vector<256x512xf32>
    %mul3A_908 = arith.mulf %mul3A_907, %add3A_851 : vector<256x512xf32>
    %sub3A_909 = arith.subf %mul3A_906, %mul3A_908 : vector<256x512xf32>
    %mul3A_910 = vector.broadcast %add3A_54 : vector<1x512xf32> to vector<256x512xf32>
    %mul3A_911 = arith.mulf %mul3A_910, %add3A_851 : vector<256x512xf32>
    %mul3A_912 = vector.broadcast %add3A_69 : vector<1x512xf32> to vector<256x512xf32>
    %mul3A_913 = arith.mulf %mul3A_912, %add3A_843 : vector<256x512xf32>
    %sub3A_914 = arith.subf %mul3A_911, %mul3A_913 : vector<256x512xf32>
    %add3A_915 = arith.addf %sub3A_909, %sub3A_914 : vector<256x512xf32>
    %min3A_916 = arith.minimumf %sub3A_909, %sub3A_914 : vector<256x512xf32>
    %sub3A_917 = vector.broadcast %add3A_99 : vector<1x512xf32> to vector<256x512xf32>
    %sub3A_918 = arith.subf %sub3A_917, %add3A_915 : vector<256x512xf32>
    %min3A_919 = arith.minimumf %min3A_916, %sub3A_918 : vector<256x512xf32>
    %mul3A_920 = vector.broadcast %sub3A_88 : vector<1x512xf32> to vector<256x512xf32>
    %mul3A_921 = arith.mulf %sub3A_829, %mul3A_920 : vector<256x512xf32>
    %mul3A_922 = vector.broadcast %sub3A_91 : vector<1x512xf32> to vector<256x512xf32>
    %mul3A_923 = arith.mulf %sub3A_832, %mul3A_922 : vector<256x512xf32>
    %add3A_924 = arith.addf %mul3A_921, %mul3A_923 : vector<256x512xf32>
    %mul3A_925 = vector.broadcast %sub3A_94 : vector<1x512xf32> to vector<256x512xf32>
    %mul3A_926 = arith.mulf %sub3A_835, %mul3A_925 : vector<256x512xf32>
    %add3A_927 = arith.addf %add3A_924, %mul3A_926 : vector<256x512xf32>
    %mul3A_928 = arith.mulf %add3A_927, %add3A_927 : vector<256x512xf32>
    %mul3A_929 = vector.broadcast %div3A_105 : vector<1x512xf32> to vector<256x512xf32>
    %mul3A_930 = arith.mulf %mul3A_928, %mul3A_929 : vector<256x512xf32>
    %min3A_931 = arith.minimumf %sub3A_876, %sub3A_890 : vector<256x512xf32>
    %min3A_932 = arith.minimumf %min3A_931, %sub3A_904 : vector<256x512xf32>
    %gt3A_933 = arith.constant 0.000000e+00 : f32
    %gt3A_934 = vector.broadcast %gt3A_933 : f32 to vector<256x512xf32>
    %gt3A_935 = arith.cmpf ogt, %min3A_919, %gt3A_934 : vector<256x512xf32>
    %select_n3A_936 = arith.select %gt3A_935, %mul3A_930, %min3A_932 : vector<256x512xi1>, vector<256x512xf32>
    %min3A_937 = arith.minimumf %select_n3A_936, %min3A_932 : vector<256x512xf32>
    %sub3A_938 = vector.broadcast %add3A_59 : vector<1x512xf32> to vector<256x512xf32>
    %sub3A_939 = arith.subf %add3A_851, %sub3A_938 : vector<256x512xf32>
    %ge3A_940 = arith.constant 0.000000e+00 : f32
    %ge3A_941 = vector.broadcast %ge3A_940 : f32 to vector<256x512xf32>
    %ge3A_942 = arith.cmpf oge, %sub3A_939, %ge3A_941 : vector<256x512xf32>
    %select_n3A_943 = arith.select %ge3A_942, %sub3A_890, %add3A_856 : vector<256x512xi1>, vector<256x512xf32>
    %broadcast_in_dim3A_944 = vector.shape_cast %eq3A_108 : vector<1x512xi1> to vector<1x512xi1>
    %broadcast_in_dim3A_945 = vector.broadcast %broadcast_in_dim3A_944 : vector<1x512xi1> to vector<256x512xi1>
    %select_n3A_946 = arith.select %broadcast_in_dim3A_945, %select_n3A_943, %min3A_937 : vector<256x512xi1>, vector<256x512xf32>
    %reduce_min3A_947 = arith.constant dense<0x7F800000> : vector<256xf32>
    %reduce_min3A_948 = vector.multi_reduction <minimumf>, %select_n3A_946, %reduce_min3A_947 [1] : vector<256x512xf32> to vector<256xf32>
    %broadcast_in_dim3A_949 = vector.shape_cast %reduce_min3A_948 : vector<256xf32> to vector<256x1xf32>
    %max3A_950 = arith.constant 0.000000e+00 : f32
    %max3A_951 = vector.broadcast %max3A_950 : f32 to vector<256x1xf32>
    %max3A_952 = arith.maximumf %broadcast_in_dim3A_949, %max3A_951 : vector<256x1xf32>
    %mul3A_953 = arith.constant -1.000000e+02 : f32
    %mul3A_954 = vector.broadcast %mul3A_953 : f32 to vector<256x1xf32>
    %mul3A_955 = arith.mulf %mul3A_954, %max3A_952 : vector<256x1xf32>
    %exp3A_956 = math.exp %mul3A_955 : vector<256x1xf32>
    %swap3A_957 = arith.constant 0 : index
    %swap3A_958 = arith.constant 1280 : index
    %swap3A_959 = arith.constant 0 : index
    %swap3A_960 = vector.load %arg3[%swap3A_957, %swap3A_958, %swap3A_959] : memref<1x2048x1xf32, #tpu.memory_space<vmem>>, vector<1x256x1xf32>
    %swap3A_961 = vector.shape_cast %swap3A_960 : vector<1x256x1xf32> to vector<256x1xf32>
    %swap3A_962 = vector.shape_cast %exp3A_956 : vector<256x1xf32> to vector<1x256x1xf32>
    tpu.vector_store %arg3[%swap3A_957, %swap3A_958, %swap3A_959], %swap3A_962 {strides = array<i32>} : memref<1x2048x1xf32, #tpu.memory_space<vmem>>, vector<1x256x1xf32>,
    %get3A_963 = arith.constant 0 : index
    %get3A_964 = arith.constant 1536 : index
    %get3A_965 = arith.constant 0 : index
    %get3A_966 = vector.load %arg1[%get3A_963, %get3A_964, %get3A_965] : memref<1x2048x3xf32, #tpu.memory_space<vmem>>, vector<1x256x3xf32>
    %get3A_967 = vector.shape_cast %get3A_966 : vector<1x256x3xf32> to vector<256x3xf32>
    %slice3A_968 = vector.extract_strided_slice %get3A_967 {offsets = [0, 0], sizes = [256, 1], strides = [1, 1]} : vector<256x3xf32> to vector<256x1xf32>
    %slice3A_969 = vector.extract_strided_slice %get3A_967 {offsets = [0, 1], sizes = [256, 1], strides = [1, 1]} : vector<256x3xf32> to vector<256x1xf32>
    %slice3A_970 = vector.extract_strided_slice %get3A_967 {offsets = [0, 2], sizes = [256, 1], strides = [1, 1]} : vector<256x3xf32> to vector<256x1xf32>
    %sub3A_971 = vector.broadcast %slice3A_968 : vector<256x1xf32> to vector<256x512xf32>
    %sub3A_972 = vector.broadcast %get3A_3 : vector<1x512xf32> to vector<256x512xf32>
    %sub3A_973 = arith.subf %sub3A_971, %sub3A_972 : vector<256x512xf32>
    %sub3A_974 = vector.broadcast %slice3A_969 : vector<256x1xf32> to vector<256x512xf32>
    %sub3A_975 = vector.broadcast %get3A_8 : vector<1x512xf32> to vector<256x512xf32>
    %sub3A_976 = arith.subf %sub3A_974, %sub3A_975 : vector<256x512xf32>
    %sub3A_977 = vector.broadcast %slice3A_970 : vector<256x1xf32> to vector<256x512xf32>
    %sub3A_978 = vector.broadcast %get3A_13 : vector<1x512xf32> to vector<256x512xf32>
    %sub3A_979 = arith.subf %sub3A_977, %sub3A_978 : vector<256x512xf32>
    %mul3A_980 = vector.broadcast %sub3A : vector<1x512xf32> to vector<256x512xf32>
    %mul3A_981 = arith.mulf %sub3A_973, %mul3A_980 : vector<256x512xf32>
    %mul3A_982 = vector.broadcast %sub3A_44 : vector<1x512xf32> to vector<256x512xf32>
    %mul3A_983 = arith.mulf %sub3A_976, %mul3A_982 : vector<256x512xf32>
    %add3A_984 = arith.addf %mul3A_981, %mul3A_983 : vector<256x512xf32>
    %mul3A_985 = vector.broadcast %sub3A_45 : vector<1x512xf32> to vector<256x512xf32>
    %mul3A_986 = arith.mulf %sub3A_979, %mul3A_985 : vector<256x512xf32>
    %add3A_987 = arith.addf %add3A_984, %mul3A_986 : vector<256x512xf32>
    %mul3A_988 = vector.broadcast %sub3A_46 : vector<1x512xf32> to vector<256x512xf32>
    %mul3A_989 = arith.mulf %sub3A_973, %mul3A_988 : vector<256x512xf32>
    %mul3A_990 = vector.broadcast %sub3A_47 : vector<1x512xf32> to vector<256x512xf32>
    %mul3A_991 = arith.mulf %sub3A_976, %mul3A_990 : vector<256x512xf32>
    %add3A_992 = arith.addf %mul3A_989, %mul3A_991 : vector<256x512xf32>
    %mul3A_993 = vector.broadcast %sub3A_48 : vector<1x512xf32> to vector<256x512xf32>
    %mul3A_994 = arith.mulf %sub3A_979, %mul3A_993 : vector<256x512xf32>
    %add3A_995 = arith.addf %add3A_992, %mul3A_994 : vector<256x512xf32>
    %mul3A_996 = arith.mulf %sub3A_973, %sub3A_973 : vector<256x512xf32>
    %mul3A_997 = arith.mulf %sub3A_976, %sub3A_976 : vector<256x512xf32>
    %add3A_998 = arith.addf %mul3A_996, %mul3A_997 : vector<256x512xf32>
    %mul3A_999 = arith.mulf %sub3A_979, %sub3A_979 : vector<256x512xf32>
    %add3A_1000 = arith.addf %add3A_998, %mul3A_999 : vector<256x512xf32>
    %add3A_1001 = arith.addf %add3A_987, %add3A_987 : vector<256x512xf32>
    %sub3A_1002 = arith.subf %add3A_1000, %add3A_1001 : vector<256x512xf32>
    %add3A_1003 = vector.broadcast %add3A_54 : vector<1x512xf32> to vector<256x512xf32>
    %add3A_1004 = arith.addf %sub3A_1002, %add3A_1003 : vector<256x512xf32>
    %sub3A_1005 = arith.subf %add3A_995, %add3A_987 : vector<256x512xf32>
    %add3A_1006 = vector.broadcast %sub3A_106 : vector<1x512xf32> to vector<256x512xf32>
    %add3A_1007 = arith.addf %sub3A_1005, %add3A_1006 : vector<256x512xf32>
    %mul3A_1008 = vector.broadcast %div3A_73 : vector<1x512xf32> to vector<256x512xf32>
    %mul3A_1009 = arith.mulf %add3A_987, %mul3A_1008 : vector<256x512xf32>
    %jit3A_1010 = arith.constant 0.000000e+00 : f32
    %jit3A_1011 = arith.constant 1.000000e+00 : f32
    %max3A_1012 = vector.broadcast %jit3A_1010 : f32 to vector<256x512xf32>
    %max3A_1013 = arith.maximumf %max3A_1012, %mul3A_1009 : vector<256x512xf32>
    %min3A_1014 = vector.broadcast %jit3A_1011 : f32 to vector<256x512xf32>
    %min3A_1015 = arith.minimumf %min3A_1014, %max3A_1013 : vector<256x512xf32>
    %mul3A_1016 = vector.broadcast %add3A_54 : vector<1x512xf32> to vector<256x512xf32>
    %mul3A_1017 = arith.mulf %min3A_1015, %mul3A_1016 : vector<256x512xf32>
    %sub3A_1018 = arith.subf %add3A_1001, %mul3A_1017 : vector<256x512xf32>
    %mul3A_1019 = arith.mulf %min3A_1015, %sub3A_1018 : vector<256x512xf32>
    %sub3A_1020 = arith.subf %add3A_1000, %mul3A_1019 : vector<256x512xf32>
    %add3A_1021 = arith.addf %add3A_995, %add3A_995 : vector<256x512xf32>
    %mul3A_1022 = vector.broadcast %div3A_79 : vector<1x512xf32> to vector<256x512xf32>
    %mul3A_1023 = arith.mulf %add3A_995, %mul3A_1022 : vector<256x512xf32>
    %jit3A_1024 = arith.constant 0.000000e+00 : f32
    %jit3A_1025 = arith.constant 1.000000e+00 : f32
    %max3A_1026 = vector.broadcast %jit3A_1024 : f32 to vector<256x512xf32>
    %max3A_1027 = arith.maximumf %max3A_1026, %mul3A_1023 : vector<256x512xf32>
    %min3A_1028 = vector.broadcast %jit3A_1025 : f32 to vector<256x512xf32>
    %min3A_1029 = arith.minimumf %min3A_1028, %max3A_1027 : vector<256x512xf32>
    %mul3A_1030 = vector.broadcast %add3A_59 : vector<1x512xf32> to vector<256x512xf32>
    %mul3A_1031 = arith.mulf %min3A_1029, %mul3A_1030 : vector<256x512xf32>
    %sub3A_1032 = arith.subf %add3A_1021, %mul3A_1031 : vector<256x512xf32>
    %mul3A_1033 = arith.mulf %min3A_1029, %sub3A_1032 : vector<256x512xf32>
    %sub3A_1034 = arith.subf %add3A_1000, %mul3A_1033 : vector<256x512xf32>
    %add3A_1035 = arith.addf %add3A_1007, %add3A_1007 : vector<256x512xf32>
    %mul3A_1036 = vector.broadcast %div3A_85 : vector<1x512xf32> to vector<256x512xf32>
    %mul3A_1037 = arith.mulf %add3A_1007, %mul3A_1036 : vector<256x512xf32>
    %jit3A_1038 = arith.constant 0.000000e+00 : f32
    %jit3A_1039 = arith.constant 1.000000e+00 : f32
    %max3A_1040 = vector.broadcast %jit3A_1038 : f32 to vector<256x512xf32>
    %max3A_1041 = arith.maximumf %max3A_1040, %mul3A_1037 : vector<256x512xf32>
    %min3A_1042 = vector.broadcast %jit3A_1039 : f32 to vector<256x512xf32>
    %min3A_1043 = arith.minimumf %min3A_1042, %max3A_1041 : vector<256x512xf32>
    %mul3A_1044 = vector.broadcast %add3A_64 : vector<1x512xf32> to vector<256x512xf32>
    %mul3A_1045 = arith.mulf %min3A_1043, %mul3A_1044 : vector<256x512xf32>
    %sub3A_1046 = arith.subf %add3A_1035, %mul3A_1045 : vector<256x512xf32>
    %mul3A_1047 = arith.mulf %min3A_1043, %sub3A_1046 : vector<256x512xf32>
    %sub3A_1048 = arith.subf %add3A_1004, %mul3A_1047 : vector<256x512xf32>
    %mul3A_1049 = vector.broadcast %add3A_59 : vector<1x512xf32> to vector<256x512xf32>
    %mul3A_1050 = arith.mulf %mul3A_1049, %add3A_987 : vector<256x512xf32>
    %mul3A_1051 = vector.broadcast %add3A_69 : vector<1x512xf32> to vector<256x512xf32>
    %mul3A_1052 = arith.mulf %mul3A_1051, %add3A_995 : vector<256x512xf32>
    %sub3A_1053 = arith.subf %mul3A_1050, %mul3A_1052 : vector<256x512xf32>
    %mul3A_1054 = vector.broadcast %add3A_54 : vector<1x512xf32> to vector<256x512xf32>
    %mul3A_1055 = arith.mulf %mul3A_1054, %add3A_995 : vector<256x512xf32>
    %mul3A_1056 = vector.broadcast %add3A_69 : vector<1x512xf32> to vector<256x512xf32>
    %mul3A_1057 = arith.mulf %mul3A_1056, %add3A_987 : vector<256x512xf32>
    %sub3A_1058 = arith.subf %mul3A_1055, %mul3A_1057 : vector<256x512xf32>
    %add3A_1059 = arith.addf %sub3A_1053, %sub3A_1058 : vector<256x512xf32>
    %min3A_1060 = arith.minimumf %sub3A_1053, %sub3A_1058 : vector<256x512xf32>
    %sub3A_1061 = vector.broadcast %add3A_99 : vector<1x512xf32> to vector<256x512xf32>
    %sub3A_1062 = arith.subf %sub3A_1061, %add3A_1059 : vector<256x512xf32>
    %min3A_1063 = arith.minimumf %min3A_1060, %sub3A_1062 : vector<256x512xf32>
    %mul3A_1064 = vector.broadcast %sub3A_88 : vector<1x512xf32> to vector<256x512xf32>
    %mul3A_1065 = arith.mulf %sub3A_973, %mul3A_1064 : vector<256x512xf32>
    %mul3A_1066 = vector.broadcast %sub3A_91 : vector<1x512xf32> to vector<256x512xf32>
    %mul3A_1067 = arith.mulf %sub3A_976, %mul3A_1066 : vector<256x512xf32>
    %add3A_1068 = arith.addf %mul3A_1065, %mul3A_1067 : vector<256x512xf32>
    %mul3A_1069 = vector.broadcast %sub3A_94 : vector<1x512xf32> to vector<256x512xf32>
    %mul3A_1070 = arith.mulf %sub3A_979, %mul3A_1069 : vector<256x512xf32>
    %add3A_1071 = arith.addf %add3A_1068, %mul3A_1070 : vector<256x512xf32>
    %mul3A_1072 = arith.mulf %add3A_1071, %add3A_1071 : vector<256x512xf32>
    %mul3A_1073 = vector.broadcast %div3A_105 : vector<1x512xf32> to vector<256x512xf32>
    %mul3A_1074 = arith.mulf %mul3A_1072, %mul3A_1073 : vector<256x512xf32>
    %min3A_1075 = arith.minimumf %sub3A_1020, %sub3A_1034 : vector<256x512xf32>
    %min3A_1076 = arith.minimumf %min3A_1075, %sub3A_1048 : vector<256x512xf32>
    %gt3A_1077 = arith.constant 0.000000e+00 : f32
    %gt3A_1078 = vector.broadcast %gt3A_1077 : f32 to vector<256x512xf32>
    %gt3A_1079 = arith.cmpf ogt, %min3A_1063, %gt3A_1078 : vector<256x512xf32>
    %select_n3A_1080 = arith.select %gt3A_1079, %mul3A_1074, %min3A_1076 : vector<256x512xi1>, vector<256x512xf32>
    %min3A_1081 = arith.minimumf %select_n3A_1080, %min3A_1076 : vector<256x512xf32>
    %sub3A_1082 = vector.broadcast %add3A_59 : vector<1x512xf32> to vector<256x512xf32>
    %sub3A_1083 = arith.subf %add3A_995, %sub3A_1082 : vector<256x512xf32>
    %ge3A_1084 = arith.constant 0.000000e+00 : f32
    %ge3A_1085 = vector.broadcast %ge3A_1084 : f32 to vector<256x512xf32>
    %ge3A_1086 = arith.cmpf oge, %sub3A_1083, %ge3A_1085 : vector<256x512xf32>
    %select_n3A_1087 = arith.select %ge3A_1086, %sub3A_1034, %add3A_1000 : vector<256x512xi1>, vector<256x512xf32>
    %broadcast_in_dim3A_1088 = vector.shape_cast %eq3A_108 : vector<1x512xi1> to vector<1x512xi1>
    %broadcast_in_dim3A_1089 = vector.broadcast %broadcast_in_dim3A_1088 : vector<1x512xi1> to vector<256x512xi1>
    %select_n3A_1090 = arith.select %broadcast_in_dim3A_1089, %select_n3A_1087, %min3A_1081 : vector<256x512xi1>, vector<256x512xf32>
    %reduce_min3A_1091 = arith.constant dense<0x7F800000> : vector<256xf32>
    %reduce_min3A_1092 = vector.multi_reduction <minimumf>, %select_n3A_1090, %reduce_min3A_1091 [1] : vector<256x512xf32> to vector<256xf32>
    %broadcast_in_dim3A_1093 = vector.shape_cast %reduce_min3A_1092 : vector<256xf32> to vector<256x1xf32>
    %max3A_1094 = arith.constant 0.000000e+00 : f32
    %max3A_1095 = vector.broadcast %max3A_1094 : f32 to vector<256x1xf32>
    %max3A_1096 = arith.maximumf %broadcast_in_dim3A_1093, %max3A_1095 : vector<256x1xf32>
    %mul3A_1097 = arith.constant -1.000000e+02 : f32
    %mul3A_1098 = vector.broadcast %mul3A_1097 : f32 to vector<256x1xf32>
    %mul3A_1099 = arith.mulf %mul3A_1098, %max3A_1096 : vector<256x1xf32>
    %exp3A_1100 = math.exp %mul3A_1099 : vector<256x1xf32>
    %swap3A_1101 = arith.constant 0 : index
    %swap3A_1102 = arith.constant 1536 : index
    %swap3A_1103 = arith.constant 0 : index
    %swap3A_1104 = vector.load %arg3[%swap3A_1101, %swap3A_1102, %swap3A_1103] : memref<1x2048x1xf32, #tpu.memory_space<vmem>>, vector<1x256x1xf32>
    %swap3A_1105 = vector.shape_cast %swap3A_1104 : vector<1x256x1xf32> to vector<256x1xf32>
    %swap3A_1106 = vector.shape_cast %exp3A_1100 : vector<256x1xf32> to vector<1x256x1xf32>
    tpu.vector_store %arg3[%swap3A_1101, %swap3A_1102, %swap3A_1103], %swap3A_1106 {strides = array<i32>} : memref<1x2048x1xf32, #tpu.memory_space<vmem>>, vector<1x256x1xf32>,
    %get3A_1107 = arith.constant 0 : index
    %get3A_1108 = arith.constant 1792 : index
    %get3A_1109 = arith.constant 0 : index
    %get3A_1110 = vector.load %arg1[%get3A_1107, %get3A_1108, %get3A_1109] : memref<1x2048x3xf32, #tpu.memory_space<vmem>>, vector<1x256x3xf32>
    %get3A_1111 = vector.shape_cast %get3A_1110 : vector<1x256x3xf32> to vector<256x3xf32>
    %slice3A_1112 = vector.extract_strided_slice %get3A_1111 {offsets = [0, 0], sizes = [256, 1], strides = [1, 1]} : vector<256x3xf32> to vector<256x1xf32>
    %slice3A_1113 = vector.extract_strided_slice %get3A_1111 {offsets = [0, 1], sizes = [256, 1], strides = [1, 1]} : vector<256x3xf32> to vector<256x1xf32>
    %slice3A_1114 = vector.extract_strided_slice %get3A_1111 {offsets = [0, 2], sizes = [256, 1], strides = [1, 1]} : vector<256x3xf32> to vector<256x1xf32>
    %sub3A_1115 = vector.broadcast %slice3A_1112 : vector<256x1xf32> to vector<256x512xf32>
    %sub3A_1116 = vector.broadcast %get3A_3 : vector<1x512xf32> to vector<256x512xf32>
    %sub3A_1117 = arith.subf %sub3A_1115, %sub3A_1116 : vector<256x512xf32>
    %sub3A_1118 = vector.broadcast %slice3A_1113 : vector<256x1xf32> to vector<256x512xf32>
    %sub3A_1119 = vector.broadcast %get3A_8 : vector<1x512xf32> to vector<256x512xf32>
    %sub3A_1120 = arith.subf %sub3A_1118, %sub3A_1119 : vector<256x512xf32>
    %sub3A_1121 = vector.broadcast %slice3A_1114 : vector<256x1xf32> to vector<256x512xf32>
    %sub3A_1122 = vector.broadcast %get3A_13 : vector<1x512xf32> to vector<256x512xf32>
    %sub3A_1123 = arith.subf %sub3A_1121, %sub3A_1122 : vector<256x512xf32>
    %mul3A_1124 = vector.broadcast %sub3A : vector<1x512xf32> to vector<256x512xf32>
    %mul3A_1125 = arith.mulf %sub3A_1117, %mul3A_1124 : vector<256x512xf32>
    %mul3A_1126 = vector.broadcast %sub3A_44 : vector<1x512xf32> to vector<256x512xf32>
    %mul3A_1127 = arith.mulf %sub3A_1120, %mul3A_1126 : vector<256x512xf32>
    %add3A_1128 = arith.addf %mul3A_1125, %mul3A_1127 : vector<256x512xf32>
    %mul3A_1129 = vector.broadcast %sub3A_45 : vector<1x512xf32> to vector<256x512xf32>
    %mul3A_1130 = arith.mulf %sub3A_1123, %mul3A_1129 : vector<256x512xf32>
    %add3A_1131 = arith.addf %add3A_1128, %mul3A_1130 : vector<256x512xf32>
    %mul3A_1132 = vector.broadcast %sub3A_46 : vector<1x512xf32> to vector<256x512xf32>
    %mul3A_1133 = arith.mulf %sub3A_1117, %mul3A_1132 : vector<256x512xf32>
    %mul3A_1134 = vector.broadcast %sub3A_47 : vector<1x512xf32> to vector<256x512xf32>
    %mul3A_1135 = arith.mulf %sub3A_1120, %mul3A_1134 : vector<256x512xf32>
    %add3A_1136 = arith.addf %mul3A_1133, %mul3A_1135 : vector<256x512xf32>
    %mul3A_1137 = vector.broadcast %sub3A_48 : vector<1x512xf32> to vector<256x512xf32>
    %mul3A_1138 = arith.mulf %sub3A_1123, %mul3A_1137 : vector<256x512xf32>
    %add3A_1139 = arith.addf %add3A_1136, %mul3A_1138 : vector<256x512xf32>
    %mul3A_1140 = arith.mulf %sub3A_1117, %sub3A_1117 : vector<256x512xf32>
    %mul3A_1141 = arith.mulf %sub3A_1120, %sub3A_1120 : vector<256x512xf32>
    %add3A_1142 = arith.addf %mul3A_1140, %mul3A_1141 : vector<256x512xf32>
    %mul3A_1143 = arith.mulf %sub3A_1123, %sub3A_1123 : vector<256x512xf32>
    %add3A_1144 = arith.addf %add3A_1142, %mul3A_1143 : vector<256x512xf32>
    %add3A_1145 = arith.addf %add3A_1131, %add3A_1131 : vector<256x512xf32>
    %sub3A_1146 = arith.subf %add3A_1144, %add3A_1145 : vector<256x512xf32>
    %add3A_1147 = vector.broadcast %add3A_54 : vector<1x512xf32> to vector<256x512xf32>
    %add3A_1148 = arith.addf %sub3A_1146, %add3A_1147 : vector<256x512xf32>
    %sub3A_1149 = arith.subf %add3A_1139, %add3A_1131 : vector<256x512xf32>
    %add3A_1150 = vector.broadcast %sub3A_106 : vector<1x512xf32> to vector<256x512xf32>
    %add3A_1151 = arith.addf %sub3A_1149, %add3A_1150 : vector<256x512xf32>
    %mul3A_1152 = vector.broadcast %div3A_73 : vector<1x512xf32> to vector<256x512xf32>
    %mul3A_1153 = arith.mulf %add3A_1131, %mul3A_1152 : vector<256x512xf32>
    %jit3A_1154 = arith.constant 0.000000e+00 : f32
    %jit3A_1155 = arith.constant 1.000000e+00 : f32
    %max3A_1156 = vector.broadcast %jit3A_1154 : f32 to vector<256x512xf32>
    %max3A_1157 = arith.maximumf %max3A_1156, %mul3A_1153 : vector<256x512xf32>
    %min3A_1158 = vector.broadcast %jit3A_1155 : f32 to vector<256x512xf32>
    %min3A_1159 = arith.minimumf %min3A_1158, %max3A_1157 : vector<256x512xf32>
    %mul3A_1160 = vector.broadcast %add3A_54 : vector<1x512xf32> to vector<256x512xf32>
    %mul3A_1161 = arith.mulf %min3A_1159, %mul3A_1160 : vector<256x512xf32>
    %sub3A_1162 = arith.subf %add3A_1145, %mul3A_1161 : vector<256x512xf32>
    %mul3A_1163 = arith.mulf %min3A_1159, %sub3A_1162 : vector<256x512xf32>
    %sub3A_1164 = arith.subf %add3A_1144, %mul3A_1163 : vector<256x512xf32>
    %add3A_1165 = arith.addf %add3A_1139, %add3A_1139 : vector<256x512xf32>
    %mul3A_1166 = vector.broadcast %div3A_79 : vector<1x512xf32> to vector<256x512xf32>
    %mul3A_1167 = arith.mulf %add3A_1139, %mul3A_1166 : vector<256x512xf32>
    %jit3A_1168 = arith.constant 0.000000e+00 : f32
    %jit3A_1169 = arith.constant 1.000000e+00 : f32
    %max3A_1170 = vector.broadcast %jit3A_1168 : f32 to vector<256x512xf32>
    %max3A_1171 = arith.maximumf %max3A_1170, %mul3A_1167 : vector<256x512xf32>
    %min3A_1172 = vector.broadcast %jit3A_1169 : f32 to vector<256x512xf32>
    %min3A_1173 = arith.minimumf %min3A_1172, %max3A_1171 : vector<256x512xf32>
    %mul3A_1174 = vector.broadcast %add3A_59 : vector<1x512xf32> to vector<256x512xf32>
    %mul3A_1175 = arith.mulf %min3A_1173, %mul3A_1174 : vector<256x512xf32>
    %sub3A_1176 = arith.subf %add3A_1165, %mul3A_1175 : vector<256x512xf32>
    %mul3A_1177 = arith.mulf %min3A_1173, %sub3A_1176 : vector<256x512xf32>
    %sub3A_1178 = arith.subf %add3A_1144, %mul3A_1177 : vector<256x512xf32>
    %add3A_1179 = arith.addf %add3A_1151, %add3A_1151 : vector<256x512xf32>
    %mul3A_1180 = vector.broadcast %div3A_85 : vector<1x512xf32> to vector<256x512xf32>
    %mul3A_1181 = arith.mulf %add3A_1151, %mul3A_1180 : vector<256x512xf32>
    %jit3A_1182 = arith.constant 0.000000e+00 : f32
    %jit3A_1183 = arith.constant 1.000000e+00 : f32
    %max3A_1184 = vector.broadcast %jit3A_1182 : f32 to vector<256x512xf32>
    %max3A_1185 = arith.maximumf %max3A_1184, %mul3A_1181 : vector<256x512xf32>
    %min3A_1186 = vector.broadcast %jit3A_1183 : f32 to vector<256x512xf32>
    %min3A_1187 = arith.minimumf %min3A_1186, %max3A_1185 : vector<256x512xf32>
    %mul3A_1188 = vector.broadcast %add3A_64 : vector<1x512xf32> to vector<256x512xf32>
    %mul3A_1189 = arith.mulf %min3A_1187, %mul3A_1188 : vector<256x512xf32>
    %sub3A_1190 = arith.subf %add3A_1179, %mul3A_1189 : vector<256x512xf32>
    %mul3A_1191 = arith.mulf %min3A_1187, %sub3A_1190 : vector<256x512xf32>
    %sub3A_1192 = arith.subf %add3A_1148, %mul3A_1191 : vector<256x512xf32>
    %mul3A_1193 = vector.broadcast %add3A_59 : vector<1x512xf32> to vector<256x512xf32>
    %mul3A_1194 = arith.mulf %mul3A_1193, %add3A_1131 : vector<256x512xf32>
    %mul3A_1195 = vector.broadcast %add3A_69 : vector<1x512xf32> to vector<256x512xf32>
    %mul3A_1196 = arith.mulf %mul3A_1195, %add3A_1139 : vector<256x512xf32>
    %sub3A_1197 = arith.subf %mul3A_1194, %mul3A_1196 : vector<256x512xf32>
    %mul3A_1198 = vector.broadcast %add3A_54 : vector<1x512xf32> to vector<256x512xf32>
    %mul3A_1199 = arith.mulf %mul3A_1198, %add3A_1139 : vector<256x512xf32>
    %mul3A_1200 = vector.broadcast %add3A_69 : vector<1x512xf32> to vector<256x512xf32>
    %mul3A_1201 = arith.mulf %mul3A_1200, %add3A_1131 : vector<256x512xf32>
    %sub3A_1202 = arith.subf %mul3A_1199, %mul3A_1201 : vector<256x512xf32>
    %add3A_1203 = arith.addf %sub3A_1197, %sub3A_1202 : vector<256x512xf32>
    %min3A_1204 = arith.minimumf %sub3A_1197, %sub3A_1202 : vector<256x512xf32>
    %sub3A_1205 = vector.broadcast %add3A_99 : vector<1x512xf32> to vector<256x512xf32>
    %sub3A_1206 = arith.subf %sub3A_1205, %add3A_1203 : vector<256x512xf32>
    %min3A_1207 = arith.minimumf %min3A_1204, %sub3A_1206 : vector<256x512xf32>
    %mul3A_1208 = vector.broadcast %sub3A_88 : vector<1x512xf32> to vector<256x512xf32>
    %mul3A_1209 = arith.mulf %sub3A_1117, %mul3A_1208 : vector<256x512xf32>
    %mul3A_1210 = vector.broadcast %sub3A_91 : vector<1x512xf32> to vector<256x512xf32>
    %mul3A_1211 = arith.mulf %sub3A_1120, %mul3A_1210 : vector<256x512xf32>
    %add3A_1212 = arith.addf %mul3A_1209, %mul3A_1211 : vector<256x512xf32>
    %mul3A_1213 = vector.broadcast %sub3A_94 : vector<1x512xf32> to vector<256x512xf32>
    %mul3A_1214 = arith.mulf %sub3A_1123, %mul3A_1213 : vector<256x512xf32>
    %add3A_1215 = arith.addf %add3A_1212, %mul3A_1214 : vector<256x512xf32>
    %mul3A_1216 = arith.mulf %add3A_1215, %add3A_1215 : vector<256x512xf32>
    %mul3A_1217 = vector.broadcast %div3A_105 : vector<1x512xf32> to vector<256x512xf32>
    %mul3A_1218 = arith.mulf %mul3A_1216, %mul3A_1217 : vector<256x512xf32>
    %min3A_1219 = arith.minimumf %sub3A_1164, %sub3A_1178 : vector<256x512xf32>
    %min3A_1220 = arith.minimumf %min3A_1219, %sub3A_1192 : vector<256x512xf32>
    %gt3A_1221 = arith.constant 0.000000e+00 : f32
    %gt3A_1222 = vector.broadcast %gt3A_1221 : f32 to vector<256x512xf32>
    %gt3A_1223 = arith.cmpf ogt, %min3A_1207, %gt3A_1222 : vector<256x512xf32>
    %select_n3A_1224 = arith.select %gt3A_1223, %mul3A_1218, %min3A_1220 : vector<256x512xi1>, vector<256x512xf32>
    %min3A_1225 = arith.minimumf %select_n3A_1224, %min3A_1220 : vector<256x512xf32>
    %sub3A_1226 = vector.broadcast %add3A_59 : vector<1x512xf32> to vector<256x512xf32>
    %sub3A_1227 = arith.subf %add3A_1139, %sub3A_1226 : vector<256x512xf32>
    %ge3A_1228 = arith.constant 0.000000e+00 : f32
    %ge3A_1229 = vector.broadcast %ge3A_1228 : f32 to vector<256x512xf32>
    %ge3A_1230 = arith.cmpf oge, %sub3A_1227, %ge3A_1229 : vector<256x512xf32>
    %select_n3A_1231 = arith.select %ge3A_1230, %sub3A_1178, %add3A_1144 : vector<256x512xi1>, vector<256x512xf32>
    %broadcast_in_dim3A_1232 = vector.shape_cast %eq3A_108 : vector<1x512xi1> to vector<1x512xi1>
    %broadcast_in_dim3A_1233 = vector.broadcast %broadcast_in_dim3A_1232 : vector<1x512xi1> to vector<256x512xi1>
    %select_n3A_1234 = arith.select %broadcast_in_dim3A_1233, %select_n3A_1231, %min3A_1225 : vector<256x512xi1>, vector<256x512xf32>
    %reduce_min3A_1235 = arith.constant dense<0x7F800000> : vector<256xf32>
    %reduce_min3A_1236 = vector.multi_reduction <minimumf>, %select_n3A_1234, %reduce_min3A_1235 [1] : vector<256x512xf32> to vector<256xf32>
    %broadcast_in_dim3A_1237 = vector.shape_cast %reduce_min3A_1236 : vector<256xf32> to vector<256x1xf32>
    %max3A_1238 = arith.constant 0.000000e+00 : f32
    %max3A_1239 = vector.broadcast %max3A_1238 : f32 to vector<256x1xf32>
    %max3A_1240 = arith.maximumf %broadcast_in_dim3A_1237, %max3A_1239 : vector<256x1xf32>
    %mul3A_1241 = arith.constant -1.000000e+02 : f32
    %mul3A_1242 = vector.broadcast %mul3A_1241 : f32 to vector<256x1xf32>
    %mul3A_1243 = arith.mulf %mul3A_1242, %max3A_1240 : vector<256x1xf32>
    %exp3A_1244 = math.exp %mul3A_1243 : vector<256x1xf32>
    %swap3A_1245 = arith.constant 0 : index
    %swap3A_1246 = arith.constant 1792 : index
    %swap3A_1247 = arith.constant 0 : index
    %swap3A_1248 = vector.load %arg3[%swap3A_1245, %swap3A_1246, %swap3A_1247] : memref<1x2048x1xf32, #tpu.memory_space<vmem>>, vector<1x256x1xf32>
    %swap3A_1249 = vector.shape_cast %swap3A_1248 : vector<1x256x1xf32> to vector<256x1xf32>
    %swap3A_1250 = vector.shape_cast %exp3A_1244 : vector<256x1xf32> to vector<1x256x1xf32>
    tpu.vector_store %arg3[%swap3A_1245, %swap3A_1246, %swap3A_1247], %swap3A_1250 {strides = array<i32>} : memref<1x2048x1xf32, #tpu.memory_space<vmem>>, vector<1x256x1xf32>,
    return
  }
  func.func @transform_0(%arg0: i32) -> (i32, i32, i32) {
    %c0_i32 = arith.constant 0 : i32
    %c0_i32_0 = arith.constant 0 : i32
    %c0_i32_1 = arith.constant 0 : i32
    return %arg0, %c0_i32, %c0_i32_0 : i32, i32, i32
  }
  func.func @transform_1(%arg0: i32) -> (i32, i32, i32) {
    %c0_i32 = arith.constant 0 : i32
    %c0_i32_0 = arith.constant 0 : i32
    %c0_i32_1 = arith.constant 0 : i32
    return %arg0, %c0_i32, %c0_i32_0 : i32, i32, i32
  }
  func.func @transform_2(%arg0: i32) -> (i32, i32, i32) {
    %c0_i32 = arith.constant 0 : i32
    %c0_i32_0 = arith.constant 0 : i32
    %c0_i32_1 = arith.constant 0 : i32
    return %arg0, %c0_i32, %c0_i32_0 : i32, i32, i32
  }
}

</mosaic_0001>

<sc_bundles>
// kernel: kernel.4.cloned.1.call-start
scs
__scs_entry_jumppad:
0x0: {  	(pc) =	sbr.rel $0x88, $3  }
0x1: {  	(tag) =	ssettag $0x0;
	lr =	simm.s32 $0x1  }
0x2: {  	[smem:$0x3F9E] =	sst lr;
	_ =	strace $0xD0000000  }
0x3: {  	_ = 	snop  }
0x4: {  	_ = 	snop  }
0x5: {  	_ = 	snop  }
0x6: {  	_ = 	snop  }
0x7: {  	_ = 	snop  }
__scs_overlays_trampoline_lowered:
0x8: {  	[smem:$0x3FAD] =	sst s0  }
0x9: {  	[smem:$0x3FAE] =	sst s1  }
0xa: {  	[smem:$0x3FAF] =	sst s2  }
0xb: {  	[smem:$0x3FB0] =	sst s3  }
0xc: {  	[smem:$0x3FB1] =	sst s4  }
0xd: {  	[smem:$0x3FB2] =	sst s5  }
0xe: {  	[smem:$0x3FB3] =	sst s6  }
0xf: {  	[smem:$0x3FB4] =	sst s7  }
0x10: {  	[smem:$0x3FB5] =	sst s8  }
0x11: {  	[smem:$0x3FB6] =	sst s9;
	s0 =	simm.s32 @!p0 $0x0  }
0x12: {  	s1 =	sld [smem:$0x3F9C];
	s0 =	simm.s32 @p0 $0x1  }
0x13: {  	[smem:$0x3FB7] =	sst s0;
	s0 =	simm.s32 @!p1 $0x0  }
0x14: {  	s2 =	sld [smem:$0x3F9B];
	s0 =	simm.s32 @p1 $0x1  }
0x15: {  	[smem:$0x3FB8] =	sst s0;
	s0 =	simm.s32 @!p2 $0x0  }
0x16: {  	s3 =	sld [smem:$0x3FDB];
	s0 =	simm.s32 @p2 $0x1  }
0x17: {  	s4 =	simm.s32 $0x1BF5;
	[smem:$0x3FBA] =	sst s0  }
0x18: {  	s0 =	sld [smem:$0x3F9D];
	_ =	swait.ge [sflag:s4], $0x0  }
0x19: {  	s7 =	sld [smem:$0x3F9E]  }
0x1a: {  	s8 =	sadd.s32 $0xFFFFE003, lr  }
0x1b: {  	s9 =	sadd.s32 $0xFFFFFEF7, lr;
	s5 =	simm.s32 $0xFFFFFFFF;
	p2 =	slt.u32 s8, $0xFFFFF086  }
0x1c: {  	p1 =	slt.u32 s9, $0xF7A;
	s5 =	simm.s32 @!p2 $0x0  }
0x1d: {  	s5 =	simm.s32 @p1 $0x1;
	p0 =	seq.s32 s7, s2  }
0x1e: {  	s7 =	smul.u32 @!p0 $0xF7A, s2;
	p2 =	seq.s32 @!p0 s5, $0x0  }
0x1f: {  	s9 =	smul.u32 $0xF7A, s1;
	s8 =	simm.s32 @!p0 $0x1BF5;
	p2 =	por !p2, p0  }
0x20: {  	[sflag:s8] =	ssyncset.s32 @!p0 $0xFFFFF086;
	s6 =	sadd.s32 @!p0 s3, s7;
	s7 =	simm.s32 @!p0 $0x108  }
0x21: {  	s3 =	sadd.s32 s3, s9;
	s6 =	sadd.s32 @!p0 $0x88, s6;
	s7 =	simm.s32 @p2 $0x1082  }
0x22: {  	[simem:s7], [sflag:s8] =	dma.local @!p0 [hbm:s6], $0xF7A  }
0x23: {  	s9 =	sor.u32 $0xD0000000, s2;
	s6 =	simm.s32 $0x108;
	_ =	swait.ge @!p0 [sflag:s8], $0x0  }
0x24: {  	s3 =	sadd.s32 $0x88, s3;
	s6 =	simm.s32 @!p1 $0x1082;
	[sflag:s4] =	ssyncset.s32 $0xFFFFF086  }
0x25: {  	[simem:s6], [sflag:s4] =	dma.local [hbm:s3], $0xF7A  }
0x26: {  	[smem:$0x3F9E] =	sst s1;
	(tag) =	ssettag s2;
	_ =	strace s9  }
0x27: {  	s1 =	sld [smem:$0x3FAE]  }
0x28: {  	s2 =	sld [smem:$0x3FAF]  }
0x29: {  	s4 =	sld [smem:$0x3FB1]  }
0x2a: {  	p0 =	seq.s32 s5, $0x0;
	s5 =	sld [smem:$0x3FB2]  }
0x2b: {  	s6 =	sld [smem:$0x3FB3]  }
0x2c: {  	s7 =	sld [smem:$0x3FB4]  }
0x2d: {  	s3 =	simm.s32 $0x108;
	s8 =	sld [smem:$0x3FB5]  }
0x2e: {  	s3 =	simm.s32 @!p0 $0x1082;
	s9 =	sld [smem:$0x3FB6]  }
0x2f: {  	lr =	sadd.s32 s0, s3;
	s0 =	sld [smem:$0x3FAD]  }
0x30: {  	s3 =	sld [smem:$0x3FB0]  }
0x31: {  	[smem:$0x3FB9] =	sst s10  }
0x32: {  	s10 =	sld [smem:$0x3FB7];
	_ =	sdelay $0x3  }
0x33: {  	p0 =	seq.s32 s10, $0x1;
	s10 =	sld [smem:$0x3FB9];
	_ =	sdelay $0x3  }
0x34: {  	[smem:$0x3FB9] =	sst s10  }
0x35: {  	s10 =	sld [smem:$0x3FB8];
	_ =	sdelay $0x3  }
0x36: {  	p1 =	seq.s32 s10, $0x1;
	s10 =	sld [smem:$0x3FB9];
	_ =	sdelay $0x3  }
0x37: {  	[smem:$0x3FB9] =	sst s10  }
0x38: {  	s10 =	sld [smem:$0x3FBA]  }
0x39: {  	_ = 	snop;
	(pc) =	sbr.ind lr, $3  }
0x3a: {  	_ = 	snop  }
0x3b: {  	_ = 	snop  }
0x3c: {  	p2 =	seq.s32 s10, $0x1;
	s10 =	sld [smem:$0x3FB9]  }
0x3d: {  	_ =	shalt  }
0x3e: {  	_ =	shalt  }
0x3f: {  	_ =	shalt  }
0x40: {  	_ =	shalt  }
0x41: {  	_ =	shalt  }
0x42: {  	_ =	shalt  }
0x43: {  	_ =	shalt  }
0x44: {  	_ =	shalt  }
0x45: {  	_ =	shalt  }
0x46: {  	_ =	shalt  }
0x47: {  	_ =	shalt  }
0x48: {  	_ =	shalt  }
0x49: {  	_ =	shalt  }
0x4a: {  	_ =	shalt  }
0x4b: {  	_ =	shalt  }
0x4c: {  	_ =	shalt  }
0x4d: {  	_ =	shalt  }
0x4e: {  	_ =	shalt  }
0x4f: {  	_ =	shalt  }
0x50: {  	_ =	shalt  }
0x51: {  	_ =	shalt  }
0x52: {  	_ =	shalt  }
0x53: {  	_ =	shalt  }
0x54: {  	_ =	shalt  }
0x55: {  	_ =	shalt  }
0x56: {  	_ =	shalt  }
0x57: {  	_ =	shalt  }
0x58: {  	_ =	shalt  }
0x59: {  	_ =	shalt  }
0x5a: {  	_ =	shalt  }
0x5b: {  	_ =	shalt  }
0x5c: {  	_ =	shalt  }
0x5d: {  	_ =	shalt  }
0x5e: {  	_ =	shalt  }
0x5f: {  	_ =	shalt  }
0x60: {  	_ =	shalt  }
0x61: {  	_ =	shalt  }
0x62: {  	_ =	shalt  }
0x63: {  	_ =	shalt  }
0x64: {  	_ =	shalt  }
0x65: {  	_ =	shalt  }
0x66: {  	_ =	shalt  }
0x67: {  	_ =	shalt  }
0x68: {  	_ =	shalt  }
0x69: {  	_ =	shalt  }
0x6a: {  	_ =	shalt  }
0x6b: {  	_ =	shalt  }
0x6c: {  	_ =	shalt  }
0x6d: {  	_ =	shalt  }
0x6e: {  	_ =	shalt  }
0x6f: {  	_ =	shalt  }
0x70: {  	_ =	shalt  }
0x71: {  	_ =	shalt  }
0x72: {  	_ =	shalt  }
0x73: {  	_ =	shalt  }
0x74: {  	_ =	shalt  }
0x75: {  	_ =	shalt  }
0x76: {  	_ =	shalt  }
0x77: {  	_ =	shalt  }
0x78: {  	_ =	shalt  }
0x79: {  	_ =	shalt  }
0x7a: {  	_ =	shalt  }
0x7b: {  	_ =	shalt  }
0x7c: {  	_ =	shalt  }
0x7d: {  	_ =	shalt  }
0x7e: {  	_ =	shalt  }
0x7f: {  	_ =	shalt  }
0x80: {  	_ =	shalt  }
0x81: {  	_ =	shalt  }
0x82: {  	_ =	shalt  }
0x83: {  	_ =	shalt  }
0x84: {  	_ =	shalt  }
0x85: {  	_ =	shalt  }
0x86: {  	_ =	shalt  }
0x87: {  	_ =	shalt  }
.Lfunc_end0:
.L_simem_size_0:
called_computation_lowered:
.L_overlay_start_0:
0x88: {  	s2 =	sld [smem:$0x3FD9]  }
0x89: {  	s3 =	sld [smem:$0x3FFE];
	_ =	sdelay $0x1  }
0x8a: {  	s1 =	srdreg.scid  }
0x8b: {  	s0 =	sand.u32 $0x1, s1  }
0x8c: {  	s17 =	sshll.u32 s0, $0xA;
	s2 =	sadd.s32 s3, s2  }
0x8d: {  	s2 =	sadd.s32 s2, s17  }
0x8e: {  	[smem:$0x3FC5] =	sst s2  }
0x8f: {  	_ = 	snop  }
0x90: {  	s2 =	sld [smem:$0x3FD0];
	(tm) =	ssettm $0x1  }
0x91: {  	s18 =	sld [smem:$0x3FFB];
	_ =	sdelay $0x3  }
0x92: {  	_ =	strace s18  }
0x93: {  	s3 =	sld [smem:$0x3FFC];
	_ =	sdelay $0x3  }
0x94: {  	_ =	strace s3  }
0x95: {  	s3 =	sld [smem:$0x3FFD];
	_ =	sdelay $0x3  }
0x96: {  	_ =	strace s3  }
0x97: {  	_ =	strace $0x8FFFFFFF  }
0x98: {  	s19 =	sld [smem:$0x3FDB];
	_ =	sdelay $0x1  }
0x99: {  	s4 =	simm.s32 $_scs_section_size  }
0x9a: {  	s5 =	simm.s32 $_size__tile_overlayer_lowered;
	s6 =	simm.s32 $_tile_overlayer_lowered  }
0x9b: {  	s22 =	simm.s32 $0x1BFF;
	s21 =	sshll.u32 s6, $0x1;
	s3 =	sadd.s32 s4, s19  }
0x9c: {  	s7 =	simm.s32 $0x0;
	s20 =	sshll.u32 s5, $0x1;
	s5 =	sadd.s32 s21, s3  }
0x9d: {  	[timem:s7], [sflag:s22] =	dma.local [hbm:s5], s20  }
0x9e: {  	_ =	swait.ge [sflag:s22], s20  }
0x9f: {  	s4 =	ssub.s32 $0x0, s20;
	[sflag:s22] =	ssyncset.done $0x0  }
0xa0: {  	[sflag:s22] =	ssyncadd.s32 s4;
	_ =	sdelay $0x1  }
0xa1: {  	s23 =	simm.s32 $0x1B8B  }
0xa2: {  	_ =	swait.ge [sflag:s23], $0x1  }
0xa3: {  	[sflag:s23] =	ssyncset.done $0x0  }
0xa4: {  	s25 =	simm.s32 $0x1B8E;
	s24 =	sld [smem:$0x3FFE];
	[sflag:s23] =	ssyncadd.s32 $0xFFFFFFFF  }
0xa5: {  	s26 =	simm.s32 $execute0_lowered;
	[smem:$0x3FD2] =	sst s25  }
0xa6: {  	s5 =	sshll.u32 s26, $0x1;
	_ =	strace $0x80000046;
	[dreg:$0x1] =	wrdreg $0xFFFFFFFF  }
0xa7: {  	s28 =	simm.s32 $_size_execute0_lowered;
	s3 =	sadd.s32 s3, s5;
	[dreg:$0x0] =	wrdreg $0x0  }
0xa8: {  	s5 =	sshll.u32 s28, $0x1;
	[dreg:$0x2] =	wrdreg s3  }
0xa9: {  	[dreg:$0x3] =	wrdreg s5  }
0xaa: {  	[dreg:$0x4] =	wrdreg $0xC0  }
0xab: {  	_ =	task [dreg:s7], $0x5FFFF  }
0xac: {  	[dreg:$0x1] =	wrdreg $0xFFFFFFFF  }
0xad: {  	[dreg:$0x0] =	wrdreg $0x60  }
0xae: {  	[dreg:$0x2] =	wrdreg s2  }
0xaf: {  	[dreg:$0x3] =	wrdreg s24  }
0xb0: {  	[dreg:$0x4] =	wrdreg $0x9  }
0xb1: {  	_ =	task.clear_ibuf [dreg:s7], $0x5FFFF;
	_ =	strace $0x90000046  }
0xb2: {  	s29 =	simm.s32 $0x9;
	_ =	strace $0x80000048  }
0xb3: {  	_ =	swait.ge [sflag:s29], $0x1  }
0xb4: {  	[sflag:s29] =	ssyncadd.s32 $0xFFFFFFFF  }
0xb5: {  	_ =	strace $0x90000048  }
0xb6: {  	_ =	sfence  }
0xb7: {  	s30 =	sld [smem:$0x0];
	_ =	sdelay $0x2  }
0xb8: {  	s31 =	sshll.u32 s1, $0xD;
	s1 =	sshrl.u32 s1, $0x2  }
0xb9: {  	s3 =	sand.u32 $0x4000, s31;
	s1 =	sadd.s32 s1, s30  }
0xba: {  	s0 =	sor.u32 s3, s0;
	s1 =	sshll.u32 s1, $0x11  }
0xbb: {  	s0 =	sor.u32 s1, s0  }
0xbc: {  	s0 =	sadd.s32 $0x8F2B, s0  }
0xbd: {  	[sflag:s0] =	ssyncadd.remote.s32 $0x1  }
0xbe: {  	_ =	sfence.sel $0xFFFF  }
0xbf: {  	[dreg:$0x0] =	wrdreg $0xFFFFFFFF;
	(pc) =	sbr.abs _section_cstart, $3  }
0xc0: {  	[dreg:$0x1] =	wrdreg $0xFFFFFFFF  }
0xc1: {  	_ =	task.clear_ibuf [dreg:s7], $0x2FFFF;
	_ =	strace $0x9FFFFFFF  }
0xc2: {  	(tm) =	ssettm $0x7FFFFFFF  }
0xc3: {  	_ =	shalt  }
tec
execute0_lowered:
.L_overlay_start_1:
0x0: {  	(tag) =	ssettag $0x1  }
0x1: {  	s1 =	srdreg.scid;
	s0 =	stileid.u32  }
0x2: {  	s1 =	sand.u32 $0x1, s1;
	s2 =	sshll.u32 s0, $0x1  }
0x3: {  	s8 =	rddreg [dreg:$0x0];
	s2 =	sor.u32 s1, s2  }
0x4: {  	s9 =	rddreg [dreg:$0x1];
	s3 =	smul.u32 $0x1D, s2  }
0x5: {  	s14 =	sadd.s32 $0x600, s9;
	s9 =	sadd.s32 $0x200, s9;
	p0 =	sgt.u32 s0, $0x1  }
0x6: {  	s11 =	ssub.s32 $0x2, s1;
	s1 =	rddreg [dreg:$0x2];
	s3 =	sshrl.u32 s3, $0x8  }
0x7: {  	s7 =	sor.u32 $0x20, s2;
	s12 =	sshrl.u32 s11, $0x1;
	s4 =	smul.u32 $0x9, s3  }
0x8: {  	s11 =	ssub.s32 s11, s12;
	s22 =	sshll.u32 s3, $0xB;
	s3 =	sshll.u32 s3, $0xA  }
0x9: {  	s3 =	sadd.s32 s14, s3;
	s4 =	ssub.s32 s2, s4;
	s2 =	smul.u32 $0x39, s7  }
0xa: {  	s5 =	sand.u32 $0xFF, s4;
	s24 =	sshll.u32 s4, $0x6;
	s4 =	sshll.u32 s4, $0x4  }
0xb: {  	s6 =	smul.u32 $0x56, s5;
	s2 =	sshrl.u32 s2, $0x9;
	s12 =	sand.u32 $0x200, s24  }
0xc: {  	s4 =	sand.u32 $0x70, s4;
	s13 =	smul.u32 $0x9, s2;
	s2 =	simm.s32 $0x0  }
0xd: {  	s12 =	sadd.s32 s12, s3;
	s10 =	sshrl.u32 s6, $0x8;
	s6 =	sshrl.u32 s6, $0x1  }
0xe: {  	[smem:$0x7FF] =	sst s2;
	s4 =	sadd.s32 s4, s12;
	s10 =	smul.u32 $0xFFFFFFFD, s10  }
0xf: {  	s7 =	ssub.s32 s7, s13;
	s6 =	sand.u32 $0x180, s6;
	_ =	strace $0x80000047  }
0x10: {  	s13 =	sand.u32 $0xFF, s7;
	s6 =	sor.u32 s6, s22;
	s5 =	sadd.s32 s5, s10  }
0x11: {  	s28 =	sshll.u32 s7, $0x4;
	s15 =	smul.u32 $0x56, s13;
	s10 =	sshll.u32 s5, $0x9  }
0x12: {  	s7 =	sshll.u32 s7, $0x6;
	s5 =	sshll.u32 s5, $0x7;
	s10 =	sand.u32 $0xFFFFF800, s10  }
0x13: {  	s5 =	sand.u32 $0x180, s5;
	s23 =	sshrl.u32 s15, $0x8;
	s10 =	sadd.s32 s22, s10  }
0x14: {  	s29 =	sshrl.u32 s15, $0x4;
	s5 =	sor.u32 s5, s10;
	s10 =	smul.u32 $0xFFFFFFFD, s23  }
0x15: {  	s25 =	sshrl.u32 s6, $0x3;
	s7 =	sand.u32 $0x200, s7;
	s12 =	sand.u32 $0x30, s29  }
0x16: {  	s3 =	sadd.s32 s9, s25;
	s9 =	sadd.s32 s12, s9;
	s10 =	sadd.s32 s13, s10  }
0x17: {  	s12 =	simm.s32 $0x1;
	s26 =	sshll.u32 s10, $0x9;
	s10 =	sshll.u32 s10, $0x7  }
0x18: {  	s5 =	sshrl.u32 s5, $0x3;
	s6 =	sand.u32 $0xFFFFF800, s26;
	s10 =	sand.u32 $0x180, s10  }
.Ltmp0:
0x19: {  	s5 =	sadd.s32 s8, s5;
	s6 =	sor.u32 s10, s6;
	(pc) =	sbr.rel .LBB2_1-.Ltmp0, $4  }
0x1a: {  	s13 =	simm.s32 $0x400;
	s10 =	sand.u32 $0x70, s28;
	s6 =	sadd.s32 $0x1800, s6  }
0x1b: {  	s7 =	sor.u32 s10, s7;
	s10 =	simm.s32 $0x80;
	s30 =	sshrl.u32 s6, $0x3  }
0x1c: {  	s31 =	sadd.s32 s7, s14;
	s6 =	sadd.s32 $0x300, s9;
	s9 =	smax.u32 s11, $0x1  }
0x1d: {  	s11 =	simm.s32 $0x200;
	s7 =	sadd.s32 s8, s30;
	s8 =	sadd.s32 $0xC00, s31  }
.LBB2_3:
0x1e: {  	s9 =	sadd.s32 $0xFFFFFFFF, s9  }
0x1f: {  	p1 =	sne.s32 s9, $0x0  }
.Ltmp1:
0x20: {  	_ = 	snop;
	(pc) =	sbr.rel @!p1 .LBB2_4-.Ltmp1, $1  }
0x21: {  	_ =	sdelay $0x3  }
.LBB2_1:
0x22: {  	[tilespmem:s2], [sflag:$0x1] =	stream.strided.gather [hbm4b:s3+s10], $0x200, s11, s10, $0x38;
	[tilespmem:$0x600] =	vst v63  }
0x23: {  	_ =	swait.ge [sflag:s12], $0x200  }
0x24: {  	[sflag:s12] =	ssyncset.done $0x0  }
0x25: {  	[sflag:s12] =	ssyncadd.s32 $0xFFFFFE00  }
0x26: {  	[tilespmem:s11], [sflag:$0x1] =	stream.strided.gather [hbm4b:s5+s10], $0x200, s11, s10, $0x38;
	[tilespmem:$0x600] =	vst v63  }
0x27: {  	_ =	swait.ge [sflag:s12], $0x200  }
0x28: {  	[sflag:s12] =	ssyncset.done $0x0  }
0x29: {  	[sflag:s12] =	ssyncadd.s32 $0xFFFFFE00  }
0x2a: {  	v0 =	vld [tilespmem:$0x0];
	_ =	sdelay $0x5  }
0x2b: {  	v1 =	vld [tilespmem:$0x10];
	_ =	sdelay $0x1  }
0x2c: {  	v0 =	vld.idx.msk [tilespmem:v0+s11+$0x0], $0xffff;
	_ =	sdelay $0x3  }
0x2d: {  	v2 =	vld [tilespmem:$0x20]  }
0x2e: {  	[tilespmem:$0x400] =	vst v0  }
0x2f: {  	v0 =	vld.idx.msk [tilespmem:v1+s11+$0x0], $0xffff;
	_ =	sdelay $0x3  }
0x30: {  	v35 =	vld [tilespmem:$0x30]  }
0x31: {  	[tilespmem:$0x410] =	vst v0  }
0x32: {  	v0 =	vld.idx.msk [tilespmem:v2+s11+$0x0], $0xffff;
	_ =	sdelay $0x3  }
0x33: {  	v36 =	vld [tilespmem:$0x40]  }
0x34: {  	[tilespmem:$0x420] =	vst v0  }
0x35: {  	v0 =	vld.idx.msk [tilespmem:v35+s11+$0x0], $0xffff;
	_ =	sdelay $0x3  }
0x36: {  	v37 =	vld [tilespmem:$0x50]  }
0x37: {  	[tilespmem:$0x430] =	vst v0  }
0x38: {  	v0 =	vld.idx.msk [tilespmem:v36+s11+$0x0], $0xffff;
	_ =	sdelay $0x3  }
0x39: {  	v38 =	vld [tilespmem:$0x60]  }
0x3a: {  	[tilespmem:$0x440] =	vst v0  }
0x3b: {  	v0 =	vld.idx.msk [tilespmem:v37+s11+$0x0], $0xffff;
	_ =	sdelay $0x3  }
0x3c: {  	v39 =	vld [tilespmem:$0x70]  }
0x3d: {  	[tilespmem:$0x450] =	vst v0  }
0x3e: {  	v0 =	vld.idx.msk [tilespmem:v38+s11+$0x0], $0xffff;
	_ =	sdelay $0x3  }
0x3f: {  	v40 =	vld [tilespmem:$0x80]  }
0x40: {  	[tilespmem:$0x460] =	vst v0  }
0x41: {  	v0 =	vld.idx.msk [tilespmem:v39+s11+$0x0], $0xffff;
	_ =	sdelay $0x3  }
0x42: {  	v41 =	vld [tilespmem:$0x90]  }
0x43: {  	[tilespmem:$0x470] =	vst v0  }
0x44: {  	v0 =	vld.idx.msk [tilespmem:v40+s11+$0x0], $0xffff;
	_ =	sdelay $0x3  }
0x45: {  	v42 =	vld [tilespmem:$0xA0]  }
0x46: {  	[tilespmem:$0x480] =	vst v0  }
0x47: {  	v0 =	vld.idx.msk [tilespmem:v41+s11+$0x0], $0xffff;
	_ =	sdelay $0x3  }
0x48: {  	v43 =	vld [tilespmem:$0xB0]  }
0x49: {  	[tilespmem:$0x490] =	vst v0  }
0x4a: {  	v0 =	vld.idx.msk [tilespmem:v42+s11+$0x0], $0xffff;
	_ =	sdelay $0x3  }
0x4b: {  	v44 =	vld [tilespmem:$0xC0]  }
0x4c: {  	[tilespmem:$0x4A0] =	vst v0  }
0x4d: {  	v0 =	vld.idx.msk [tilespmem:v43+s11+$0x0], $0xffff;
	_ =	sdelay $0x3  }
0x4e: {  	v45 =	vld [tilespmem:$0xD0]  }
0x4f: {  	[tilespmem:$0x4B0] =	vst v0  }
0x50: {  	v0 =	vld.idx.msk [tilespmem:v44+s11+$0x0], $0xffff;
	_ =	sdelay $0x3  }
0x51: {  	v46 =	vld [tilespmem:$0xE0]  }
0x52: {  	[tilespmem:$0x4C0] =	vst v0  }
0x53: {  	v0 =	vld.idx.msk [tilespmem:v45+s11+$0x0], $0xffff;
	_ =	sdelay $0x3  }
0x54: {  	v47 =	vld [tilespmem:$0xF0]  }
0x55: {  	[tilespmem:$0x4D0] =	vst v0  }
0x56: {  	v0 =	vld.idx.msk [tilespmem:v46+s11+$0x0], $0xffff;
	_ =	sdelay $0x3  }
0x57: {  	v48 =	vld [tilespmem:$0x100]  }
0x58: {  	[tilespmem:$0x4E0] =	vst v0  }
0x59: {  	v0 =	vld.idx.msk [tilespmem:v47+s11+$0x0], $0xffff;
	_ =	sdelay $0x3  }
0x5a: {  	v49 =	vld [tilespmem:$0x110]  }
0x5b: {  	[tilespmem:$0x4F0] =	vst v0  }
0x5c: {  	v0 =	vld.idx.msk [tilespmem:v48+s11+$0x0], $0xffff;
	_ =	sdelay $0x3  }
0x5d: {  	v50 =	vld [tilespmem:$0x120]  }
0x5e: {  	[tilespmem:$0x500] =	vst v0  }
0x5f: {  	v0 =	vld.idx.msk [tilespmem:v49+s11+$0x0], $0xffff;
	_ =	sdelay $0x3  }
0x60: {  	v51 =	vld [tilespmem:$0x130]  }
0x61: {  	[tilespmem:$0x510] =	vst v0  }
0x62: {  	v0 =	vld.idx.msk [tilespmem:v50+s11+$0x0], $0xffff;
	_ =	sdelay $0x3  }
0x63: {  	v52 =	vld [tilespmem:$0x140]  }
0x64: {  	[tilespmem:$0x520] =	vst v0  }
0x65: {  	v0 =	vld.idx.msk [tilespmem:v51+s11+$0x0], $0xffff;
	_ =	sdelay $0x3  }
0x66: {  	v53 =	vld [tilespmem:$0x150]  }
0x67: {  	[tilespmem:$0x530] =	vst v0  }
0x68: {  	v0 =	vld.idx.msk [tilespmem:v52+s11+$0x0], $0xffff;
	_ =	sdelay $0x3  }
0x69: {  	v54 =	vld [tilespmem:$0x160]  }
0x6a: {  	[tilespmem:$0x540] =	vst v0  }
0x6b: {  	v0 =	vld.idx.msk [tilespmem:v53+s11+$0x0], $0xffff;
	_ =	sdelay $0x3  }
0x6c: {  	v55 =	vld [tilespmem:$0x170]  }
0x6d: {  	[tilespmem:$0x550] =	vst v0  }
0x6e: {  	v0 =	vld.idx.msk [tilespmem:v54+s11+$0x0], $0xffff;
	_ =	sdelay $0x3  }
0x6f: {  	v56 =	vld [tilespmem:$0x180]  }
0x70: {  	[tilespmem:$0x560] =	vst v0  }
0x71: {  	v0 =	vld.idx.msk [tilespmem:v55+s11+$0x0], $0xffff;
	_ =	sdelay $0x3  }
0x72: {  	v57 =	vld [tilespmem:$0x190]  }
0x73: {  	[tilespmem:$0x570] =	vst v0  }
0x74: {  	v0 =	vld.idx.msk [tilespmem:v56+s11+$0x0], $0xffff;
	_ =	sdelay $0x3  }
0x75: {  	v58 =	vld [tilespmem:$0x1A0]  }
0x76: {  	[tilespmem:$0x580] =	vst v0  }
0x77: {  	v0 =	vld.idx.msk [tilespmem:v57+s11+$0x0], $0xffff;
	_ =	sdelay $0x3  }
0x78: {  	v59 =	vld [tilespmem:$0x1B0]  }
0x79: {  	[tilespmem:$0x590] =	vst v0  }
0x7a: {  	v0 =	vld.idx.msk [tilespmem:v58+s11+$0x0], $0xffff;
	_ =	sdelay $0x3  }
0x7b: {  	v60 =	vld [tilespmem:$0x1C0]  }
0x7c: {  	[tilespmem:$0x5A0] =	vst v0  }
0x7d: {  	v0 =	vld.idx.msk [tilespmem:v59+s11+$0x0], $0xffff;
	_ =	sdelay $0x3  }
0x7e: {  	v61 =	vld [tilespmem:$0x1D0]  }
0x7f: {  	[tilespmem:$0x5B0] =	vst v0  }
0x80: {  	v0 =	vld.idx.msk [tilespmem:v60+s11+$0x0], $0xffff;
	_ =	sdelay $0x3  }
0x81: {  	v62 =	vld [tilespmem:$0x1E0]  }
0x82: {  	[tilespmem:$0x5C0] =	vst v0  }
0x83: {  	v0 =	vld.idx.msk [tilespmem:v61+s11+$0x0], $0xffff;
	_ =	sdelay $0x3  }
0x84: {  	v63 =	vld [tilespmem:$0x1F0]  }
0x85: {  	[tilespmem:$0x5D0] =	vst v0  }
0x86: {  	v0 =	vld.idx.msk [tilespmem:v62+s11+$0x0], $0xffff;
	_ =	sdelay $0x4  }
0x87: {  	[tilespmem:$0x5E0] =	vst v0  }
0x88: {  	v0 =	vld.idx.msk [tilespmem:v63+s11+$0x0], $0xffff;
	_ =	sdelay $0x4  }
.Ltmp2:
0x89: {  	[tilespmem:$0x5F0] =	vst v0;
	(pc) =	sbr.rel @p0 .LBB2_3-.Ltmp2, $4  }
0x8a: {  	[hbm4b:s4+s10] =	stream.strided.scatter [tilespmem:s13], [sflag:$0x1], $0x200, s13, s10, $0x38;
	[tilespmem:$0x600] =	vst v63  }
0x8b: {  	_ =	swait.ge [sflag:s12], $0x200  }
0x8c: {  	[sflag:s12] =	ssyncset.done $0x0  }
0x8d: {  	[sflag:s12] =	ssyncadd.s32 $0xFFFFFE00  }
0x8e: {  	[tilespmem:s2], [sflag:$0x1] =	stream.strided.gather [hbm4b:s6+s10], $0x200, s11, s10, $0x38;
	[tilespmem:$0x600] =	vst v63  }
0x8f: {  	_ =	swait.ge [sflag:s12], $0x200  }
0x90: {  	[sflag:s12] =	ssyncset.done $0x0  }
0x91: {  	[sflag:s12] =	ssyncadd.s32 $0xFFFFFE00  }
0x92: {  	[tilespmem:s11], [sflag:$0x1] =	stream.strided.gather [hbm4b:s7+s10], $0x200, s11, s10, $0x38;
	[tilespmem:$0x600] =	vst v63  }
0x93: {  	_ =	swait.ge [sflag:s12], $0x200  }
0x94: {  	[sflag:s12] =	ssyncset.done $0x0  }
0x95: {  	[sflag:s12] =	ssyncadd.s32 $0xFFFFFE00  }
0x96: {  	v0 =	vld [tilespmem:$0x0];
	_ =	sdelay $0x5  }
0x97: {  	v1 =	vld [tilespmem:$0x10];
	_ =	sdelay $0x1  }
0x98: {  	v0 =	vld.idx.msk [tilespmem:v0+s11+$0x0], $0xffff;
	_ =	sdelay $0x3  }
0x99: {  	v2 =	vld [tilespmem:$0x20]  }
0x9a: {  	[tilespmem:$0x400] =	vst v0  }
0x9b: {  	v0 =	vld.idx.msk [tilespmem:v1+s11+$0x0], $0xffff;
	_ =	sdelay $0x3  }
0x9c: {  	v35 =	vld [tilespmem:$0x30]  }
0x9d: {  	[tilespmem:$0x410] =	vst v0  }
0x9e: {  	v0 =	vld.idx.msk [tilespmem:v2+s11+$0x0], $0xffff;
	_ =	sdelay $0x3  }
0x9f: {  	v36 =	vld [tilespmem:$0x40]  }
0xa0: {  	[tilespmem:$0x420] =	vst v0  }
0xa1: {  	v0 =	vld.idx.msk [tilespmem:v35+s11+$0x0], $0xffff;
	_ =	sdelay $0x3  }
0xa2: {  	v37 =	vld [tilespmem:$0x50]  }
0xa3: {  	[tilespmem:$0x430] =	vst v0  }
0xa4: {  	v0 =	vld.idx.msk [tilespmem:v36+s11+$0x0], $0xffff;
	_ =	sdelay $0x3  }
0xa5: {  	v38 =	vld [tilespmem:$0x60]  }
0xa6: {  	[tilespmem:$0x440] =	vst v0  }
0xa7: {  	v0 =	vld.idx.msk [tilespmem:v37+s11+$0x0], $0xffff;
	_ =	sdelay $0x3  }
0xa8: {  	v39 =	vld [tilespmem:$0x70]  }
0xa9: {  	[tilespmem:$0x450] =	vst v0  }
0xaa: {  	v0 =	vld.idx.msk [tilespmem:v38+s11+$0x0], $0xffff;
	_ =	sdelay $0x3  }
0xab: {  	v40 =	vld [tilespmem:$0x80]  }
0xac: {  	[tilespmem:$0x460] =	vst v0  }
0xad: {  	v0 =	vld.idx.msk [tilespmem:v39+s11+$0x0], $0xffff;
	_ =	sdelay $0x3  }
0xae: {  	v41 =	vld [tilespmem:$0x90]  }
0xaf: {  	[tilespmem:$0x470] =	vst v0  }
0xb0: {  	v0 =	vld.idx.msk [tilespmem:v40+s11+$0x0], $0xffff;
	_ =	sdelay $0x3  }
0xb1: {  	v42 =	vld [tilespmem:$0xA0]  }
0xb2: {  	[tilespmem:$0x480] =	vst v0  }
0xb3: {  	v0 =	vld.idx.msk [tilespmem:v41+s11+$0x0], $0xffff;
	_ =	sdelay $0x3  }
0xb4: {  	v43 =	vld [tilespmem:$0xB0]  }
0xb5: {  	[tilespmem:$0x490] =	vst v0  }
0xb6: {  	v0 =	vld.idx.msk [tilespmem:v42+s11+$0x0], $0xffff;
	_ =	sdelay $0x3  }
0xb7: {  	v44 =	vld [tilespmem:$0xC0]  }
0xb8: {  	[tilespmem:$0x4A0] =	vst v0  }
0xb9: {  	v0 =	vld.idx.msk [tilespmem:v43+s11+$0x0], $0xffff;
	_ =	sdelay $0x3  }
0xba: {  	v45 =	vld [tilespmem:$0xD0]  }
0xbb: {  	[tilespmem:$0x4B0] =	vst v0  }
0xbc: {  	v0 =	vld.idx.msk [tilespmem:v44+s11+$0x0], $0xffff;
	_ =	sdelay $0x3  }
0xbd: {  	v46 =	vld [tilespmem:$0xE0]  }
0xbe: {  	[tilespmem:$0x4C0] =	vst v0  }
0xbf: {  	v0 =	vld.idx.msk [tilespmem:v45+s11+$0x0], $0xffff;
	_ =	sdelay $0x3  }
0xc0: {  	v47 =	vld [tilespmem:$0xF0]  }
0xc1: {  	[tilespmem:$0x4D0] =	vst v0  }
0xc2: {  	v0 =	vld.idx.msk [tilespmem:v46+s11+$0x0], $0xffff;
	_ =	sdelay $0x3  }
0xc3: {  	v48 =	vld [tilespmem:$0x100]  }
0xc4: {  	[tilespmem:$0x4E0] =	vst v0  }
0xc5: {  	v0 =	vld.idx.msk [tilespmem:v47+s11+$0x0], $0xffff;
	_ =	sdelay $0x3  }
0xc6: {  	v49 =	vld [tilespmem:$0x110]  }
0xc7: {  	[tilespmem:$0x4F0] =	vst v0  }
0xc8: {  	v0 =	vld.idx.msk [tilespmem:v48+s11+$0x0], $0xffff;
	_ =	sdelay $0x3  }
0xc9: {  	v50 =	vld [tilespmem:$0x120]  }
0xca: {  	[tilespmem:$0x500] =	vst v0  }
0xcb: {  	v0 =	vld.idx.msk [tilespmem:v49+s11+$0x0], $0xffff;
	_ =	sdelay $0x3  }
0xcc: {  	v51 =	vld [tilespmem:$0x130]  }
0xcd: {  	[tilespmem:$0x510] =	vst v0  }
0xce: {  	v0 =	vld.idx.msk [tilespmem:v50+s11+$0x0], $0xffff;
	_ =	sdelay $0x3  }
0xcf: {  	v52 =	vld [tilespmem:$0x140]  }
0xd0: {  	[tilespmem:$0x520] =	vst v0  }
0xd1: {  	v0 =	vld.idx.msk [tilespmem:v51+s11+$0x0], $0xffff;
	_ =	sdelay $0x3  }
0xd2: {  	v53 =	vld [tilespmem:$0x150]  }
0xd3: {  	[tilespmem:$0x530] =	vst v0  }
0xd4: {  	v0 =	vld.idx.msk [tilespmem:v52+s11+$0x0], $0xffff;
	_ =	sdelay $0x3  }
0xd5: {  	v54 =	vld [tilespmem:$0x160]  }
0xd6: {  	[tilespmem:$0x540] =	vst v0  }
0xd7: {  	v0 =	vld.idx.msk [tilespmem:v53+s11+$0x0], $0xffff;
	_ =	sdelay $0x3  }
0xd8: {  	v55 =	vld [tilespmem:$0x170]  }
0xd9: {  	[tilespmem:$0x550] =	vst v0  }
0xda: {  	v0 =	vld.idx.msk [tilespmem:v54+s11+$0x0], $0xffff;
	_ =	sdelay $0x3  }
0xdb: {  	v56 =	vld [tilespmem:$0x180]  }
0xdc: {  	[tilespmem:$0x560] =	vst v0  }
0xdd: {  	v0 =	vld.idx.msk [tilespmem:v55+s11+$0x0], $0xffff;
	_ =	sdelay $0x3  }
0xde: {  	v57 =	vld [tilespmem:$0x190]  }
0xdf: {  	[tilespmem:$0x570] =	vst v0  }
0xe0: {  	v0 =	vld.idx.msk [tilespmem:v56+s11+$0x0], $0xffff;
	_ =	sdelay $0x3  }
0xe1: {  	v58 =	vld [tilespmem:$0x1A0]  }
0xe2: {  	[tilespmem:$0x580] =	vst v0  }
0xe3: {  	v0 =	vld.idx.msk [tilespmem:v57+s11+$0x0], $0xffff;
	_ =	sdelay $0x3  }
0xe4: {  	v59 =	vld [tilespmem:$0x1B0]  }
0xe5: {  	[tilespmem:$0x590] =	vst v0  }
0xe6: {  	v0 =	vld.idx.msk [tilespmem:v58+s11+$0x0], $0xffff;
	_ =	sdelay $0x3  }
0xe7: {  	v60 =	vld [tilespmem:$0x1C0]  }
0xe8: {  	[tilespmem:$0x5A0] =	vst v0  }
0xe9: {  	v0 =	vld.idx.msk [tilespmem:v59+s11+$0x0], $0xffff;
	_ =	sdelay $0x3  }
0xea: {  	v61 =	vld [tilespmem:$0x1D0]  }
0xeb: {  	[tilespmem:$0x5B0] =	vst v0  }
0xec: {  	v0 =	vld.idx.msk [tilespmem:v60+s11+$0x0], $0xffff;
	_ =	sdelay $0x3  }
0xed: {  	v62 =	vld [tilespmem:$0x1E0]  }
0xee: {  	[tilespmem:$0x5C0] =	vst v0  }
0xef: {  	v0 =	vld.idx.msk [tilespmem:v61+s11+$0x0], $0xffff;
	_ =	sdelay $0x3  }
0xf0: {  	v63 =	vld [tilespmem:$0x1F0]  }
0xf1: {  	[tilespmem:$0x5D0] =	vst v0  }
0xf2: {  	v0 =	vld.idx.msk [tilespmem:v62+s11+$0x0], $0xffff;
	_ =	sdelay $0x4  }
0xf3: {  	[tilespmem:$0x5E0] =	vst v0  }
0xf4: {  	v0 =	vld.idx.msk [tilespmem:v63+s11+$0x0], $0xffff;
	_ =	sdelay $0x4  }
.Ltmp3:
0xf5: {  	[tilespmem:$0x5F0] =	vst v0;
	(pc) =	sbr.rel .LBB2_3-.Ltmp3, $4  }
0xf6: {  	[hbm4b:s8+s10] =	stream.strided.scatter [tilespmem:s13], [sflag:$0x1], $0x200, s13, s10, $0x38;
	[tilespmem:$0x600] =	vst v63  }
0xf7: {  	_ =	swait.ge [sflag:s12], $0x200  }
0xf8: {  	[sflag:s12] =	ssyncset.done $0x0  }
0xf9: {  	[sflag:s12] =	ssyncadd.s32 $0xFFFFFE00  }
.LBB2_4:
0xfa: {  	_ =	sfence.sel $0x180000  }
0xfb: {  	[bflag:$0x0] =	sbarrier.arrive $0xFFFF  }
0xfc: {  	p0 =	sne.s32 s0, $0x0;
	_ =	strace $0x90000047  }
0xfd: {  	s0 =	sadd.s32 @!p0 $0x100000, s1;
	[bflag:$0x2] =	sbarrier.arrive $0xFFFF  }
0xfe: {  	[sflag:s0] =	ssyncadd.tile.s32 @!p0 $0x1;
	_ =	shalt  }
.Lfunc_end2:
_tile_overlayer_lowered:
.L_overlay_start_2:
0xff: {  	(tag) =	ssettag $0x2  }
0x100: {  	s0 =	rddreg [dreg:$0x0];
	s2 =	stileid.u32  }
0x101: {  	s1 =	rddreg [dreg:$0x1];
	p0 =	sne.s32 s2, $0x0  }
0x102: {  	s3 =	rddreg [dreg:$0x2];
	[bflag:$0x3] =	sbarrier.arrive $0xFFFF;
	s2 =	simm.s32 @!p0 $0x1C01  }
0x103: {  	[timem:s3], [sflag:s2] =	dma.local @!p0 [hbm:s0], s1  }
0x104: {  	s0 =	simm.s32 @!p0 $0x1  }
0x105: {  	_ =	swait.ge @!p0 [sflag:s0], s1  }
0x106: {  	s1 =	ssub.s32 @!p0 $0x0, s1;
	[sflag:s0] =	ssyncset.done @!p0 $0x0  }
0x107: {  	[sflag:s0] =	ssyncadd.s32 @!p0 s1  }
0x108: {  	[bflag:$0x3] =	sbarrier.arrive $0xFFFF  }
0x109: {  	_ =	shalt  }

</sc_bundles>
